<compile_context>
chip_gen: v7x
topology: tpu7x:2x2x1
jax: 0.10.2.dev20260603
libtpu: 0.0.44.dev20260713+nightly
codegen_flags: <defaults>
</compile_context>

<pallas_src>
import functools

import jax
import jax.numpy as jnp
from jax import lax
from jax.experimental import pallas as pl
from jax.experimental.pallas import tpu as pltpu
from jax.experimental.pallas import tpu_sc as plsc

N = 10000
E = 320000
D = 128
R = 8
RELD = 32
B = 100
L = 2

NC = 2
NS = 16
NW = NC * NS

NP = 10240
K = 128
C = 80
EPW = C * K
EP = NW * EPW

_MESH = plsc.VectorSubcoreMesh(core_axis_name="c", subcore_axis_name="s")


@functools.partial(
    pl.kernel,
    out_type=jax.ShapeDtypeStruct((NW, NP), jnp.float32),
    mesh=_MESH,
    scratch_types=[
        pltpu.VMEM((EPW,), jnp.int32),
        pltpu.VMEM((NP,), jnp.float32),
    ],
    compiler_params=pltpu.CompilerParams(needs_layout_passes=False),
)
def _deg(dst_hbm, out_hbm, dst_v, deg_v):
    cid = lax.axis_index("c")
    sid = lax.axis_index("s")
    wid = sid * NC + cid
    pltpu.sync_copy(dst_hbm.at[pl.ds(wid * EPW, EPW)], dst_v)

    zeros = jnp.zeros((16,), jnp.float32)
    def zbody(i, _):
        deg_v[pl.ds(pl.multiple_of(i * 16, 16), 16)] = zeros
        return 0
    lax.fori_loop(0, NP // 16, zbody, 0)

    ones = jnp.ones((16,), jnp.float32)
    def body(i, _):
        idx = dst_v[pl.ds(pl.multiple_of(i * 16, 16), 16)]
        plsc.addupdate_scatter(deg_v, [idx], ones)
        return 0
    lax.fori_loop(0, EPW // 16, body, 0)

    pltpu.sync_copy(deg_v, out_hbm.at[wid])


@functools.partial(
    pl.kernel,
    out_type=jax.ShapeDtypeStruct((NC * NP, D), jnp.float32),
    mesh=_MESH,
    scratch_types=[
        pltpu.VMEM((C, K), jnp.int32),
        pltpu.VMEM((K,), jnp.int32),
        pltpu.VMEM((K,), jnp.int32),
        pltpu.VMEM((K, D), jnp.float32),
        pltpu.VMEM((K, D), jnp.float32),
        pltpu.VMEM_SHARED((NP, D), jnp.float32),
        pltpu.SemaphoreType.DMA,
        pltpu.SemaphoreType.DMA,
        pltpu.SemaphoreType.DMA,
        pltpu.SemaphoreType.DMA,
        pltpu.SemaphoreType.DMA,
    ],
)
def _edge_pass(table_hbm, ci_hbm, dst_hbm, zeros_hbm, deg_hbm, out_hbm,
               ci_v, dst0_v, dst1_v, rows0_v, rows1_v, acc_sh,
               semg0, semg1, semd0, semd1, semz):
    del deg_hbm
    cid = lax.axis_index("c")
    sid = lax.axis_index("s")
    wid = sid * NC + cid
    rpt = NP // NS

    pltpu.async_copy(zeros_hbm.at[pl.ds(sid * rpt, rpt)],
                     acc_sh.at[pl.ds(sid * rpt, rpt)], semz)
    pltpu.sync_copy(ci_hbm.at[wid], ci_v)

    rows = (rows0_v, rows1_v)
    dsts = (dst0_v, dst1_v)
    semg = (semg0, semg1)
    semd = (semd0, semd1)
    base = wid * EPW

    def start(j, b):
        pltpu.async_copy(dst_hbm.at[pl.ds(base + j * K, K)], dsts[b], semd[b])
        pltpu.async_copy(table_hbm.at[ci_v.at[j]], rows[b], semg[b])

    def finish(j, b):
        pltpu.make_async_copy(dst_hbm.at[pl.ds(base + j * K, K)], dsts[b],
                              semd[b]).wait()
        pltpu.make_async_copy(table_hbm.at[ci_v.at[j]], rows[b],
                              semg[b]).wait()
        pltpu.sync_copy(rows[b], acc_sh.at[dsts[b]], add=True)

    start(0, 0)
    pltpu.make_async_copy(zeros_hbm.at[pl.ds(sid * rpt, rpt)],
                          acc_sh.at[pl.ds(sid * rpt, rpt)], semz).wait()
    plsc.subcore_barrier()

    def body(i, _):
        jj = i * 2
        for b in range(2):
            j = jj + b

            @pl.when(j + 1 < C)
            def _():
                start(j + 1, 1 - b)

            finish(j, b)
        return 0
    lax.fori_loop(0, C // 2, body, 0)

    plsc.subcore_barrier()
    pltpu.sync_copy(acc_sh.at[pl.ds(sid * rpt, rpt)],
                    out_hbm.at[pl.ds(cid * NP + sid * rpt, rpt)])


BN = 5120
NB = NP // BN


def _transform_body(h_ref, w_ref, out_ref):
    out_ref[0] = jnp.dot(h_ref[...], w_ref[0],
                         preferred_element_type=jnp.float32)


TN = 10240
_transform = pl.pallas_call(
    _transform_body,
    grid=(NP // TN, R),
    in_specs=[
        pl.BlockSpec((TN, D), lambda i, r: (i, 0)),
        pl.BlockSpec((1, D, D), lambda i, r: (r, 0, 0)),
    ],
    out_specs=pl.BlockSpec((1, TN, D), lambda i, r: (r, i, 0)),
    out_shape=jax.ShapeDtypeStruct((R, NP, D), jnp.float32),
)


def _combine_transform_body(acc_ref, h_ref, wself_ref, deg_ref, wrel_ref,
                            hw_ref, h1_ref):
    r = pl.program_id(0)

    @pl.when(r == 0)
    def _():
        deg = jnp.sum(deg_ref[...], axis=0)
        norm = 1.0 / jnp.where(deg == 0.0, 1.0, deg)
        a = acc_ref[0] + acc_ref[1]
        hw = jnp.dot(h_ref[...], wself_ref[...],
                     preferred_element_type=jnp.float32)
        h1_ref[...] = jnp.maximum(a * norm[:, None] + hw, 0.0)

    hw_ref[0] = jnp.dot(h1_ref[...], wrel_ref[0],
                        preferred_element_type=jnp.float32)


_combine_transform = pl.pallas_call(
    _combine_transform_body,
    grid=(R,),
    in_specs=[
        pl.BlockSpec((NC, NP, D), lambda r: (0, 0, 0)),
        pl.BlockSpec((NP, D), lambda r: (0, 0)),
        pl.BlockSpec((D, D), lambda r: (0, 0)),
        pl.BlockSpec((NW, NP), lambda r: (0, 0)),
        pl.BlockSpec((1, D, D), lambda r: (r, 0, 0)),
    ],
    out_specs=[
        pl.BlockSpec((1, NP, D), lambda r: (r, 0, 0)),
        pl.BlockSpec((NP, D), lambda r: (0, 0)),
    ],
    out_shape=[
        jax.ShapeDtypeStruct((R, NP, D), jnp.float32),
        jax.ShapeDtypeStruct((NP, D), jnp.float32),
    ],
)


def _tail_body(acc_ref, h_ref, wself_ref, deg_ref, seg_ref, head_ref,
               tail_ref, rlab_ref, rel_emb_ref, wr_ref, wcat_ref, fcb_ref,
               out_ref, sg, sh, st, sc):
    i = pl.program_id(0)
    deg = jnp.sum(deg_ref[...], axis=0)
    norm = 1.0 / jnp.where(deg == 0.0, 1.0, deg)
    a = acc_ref[0] + acc_ref[1]
    hw = jnp.dot(h_ref[...], wself_ref[...],
                 preferred_element_type=jnp.float32)
    repr_blk = jnp.maximum(a * norm[:, None] + hw, 0.0)
    u = jnp.dot(repr_blk, wcat_ref[...],
                preferred_element_type=jnp.float32)
    n_iota = lax.broadcasted_iota(jnp.int32, (B, BN), 1) + i * BN
    b_iota = lax.broadcasted_iota(jnp.int32, (B, BN), 0)
    segm = (seg_ref[...] == b_iota).astype(jnp.float32)
    headm = (head_ref[...] == n_iota).astype(jnp.float32)
    tailm = (tail_ref[...] == n_iota).astype(jnp.float32)
    pg = jnp.dot(segm, u, preferred_element_type=jnp.float32)
    ph = jnp.dot(headm, u, preferred_element_type=jnp.float32)
    pt = jnp.dot(tailm, u, preferred_element_type=jnp.float32)
    cnt = jnp.sum(segm, axis=1, keepdims=True)

    @pl.when(i == 0)
    def _():
        sg[...] = pg
        sh[...] = ph
        st[...] = pt
        sc[...] = cnt

    @pl.when(i > 0)
    def _():
        sg[...] += pg
        sh[...] += ph
        st[...] += pt
        sc[...] += cnt

    @pl.when(i == NB - 1)
    def _():
        r_iota = lax.broadcasted_iota(jnp.int32, (B, R), 1)
        relm = (rlab_ref[...] == r_iota).astype(jnp.float32)
        z = jnp.sum(rel_emb_ref[...] * wr_ref[...], axis=1,
                    keepdims=True)
        rp = jnp.dot(relm, z, preferred_element_type=jnp.float32)
        counts = jnp.maximum(sc[...], 1.0)
        out_ref[...] = sg[:, 0:1] / counts + sh[:, 1:2] + st[:, 2:3] + rp \
            + fcb_ref[...]


_tail = pl.pallas_call(
    _tail_body,
    grid=(NB,),
    in_specs=[
        pl.BlockSpec((NC, BN, D), lambda i: (0, i, 0)),
        pl.BlockSpec((BN, D), lambda i: (i, 0)),
        pl.BlockSpec((D, D), lambda i: (0, 0)),
        pl.BlockSpec((NW, BN), lambda i: (0, i)),
        pl.BlockSpec((1, BN), lambda i: (0, i)),
        pl.BlockSpec((B, 1), lambda i: (0, 0)),
        pl.BlockSpec((B, 1), lambda i: (0, 0)),
        pl.BlockSpec((B, 1), lambda i: (0, 0)),
        pl.BlockSpec((R, RELD), lambda i: (0, 0)),
        pl.BlockSpec((1, RELD), lambda i: (0, 0)),
        pl.BlockSpec((D, 128), lambda i: (0, 0)),
        pl.BlockSpec((1, 1), lambda i: (0, 0)),
    ],
    out_specs=pl.BlockSpec((B, 1), lambda i: (0, 0)),
    out_shape=jax.ShapeDtypeStruct((B, 1), jnp.float32),
    scratch_shapes=[
        pltpu.VMEM((B, 128), jnp.float32),
        pltpu.VMEM((B, 128), jnp.float32),
        pltpu.VMEM((B, 128), jnp.float32),
        pltpu.VMEM((B, 1), jnp.float32),
    ],
)


def kernel(x, edge_index, edge_type, segment_ids, head_ids, tail_ids,
           rel_labels, W_rel, W_self, rel_emb, fc_w, fc_b):
    src = edge_index[0].astype(jnp.int32)
    dst = edge_index[1].astype(jnp.int32)
    et = edge_type.astype(jnp.int32)

    pad_i = jnp.arange(EP - E, dtype=jnp.int32)
    ci = et * NP + src
    ci = jnp.concatenate([ci, pad_i % NP])
    dst_p = jnp.concatenate([dst, N + pad_i % (NP - N)])

    x_p = jnp.pad(x, ((0, NP - N), (0, 0)))
    seg_p = jnp.concatenate(
        [segment_ids.astype(jnp.int32), jnp.full((NP - N,), B, jnp.int32)]
    ).reshape(1, NP)
    deg = _deg(dst_p)
    zeros_init = jnp.zeros((NP, D), jnp.float32)

    ci3 = ci.reshape(NW, C, K)

    h = x_p
    hw = _transform(h, W_rel[0])
    acc = _edge_pass(hw.reshape(R * NP, D), ci3, dst_p, zeros_init, deg)
    for l in range(1, L):
        hw, h = _combine_transform(acc.reshape(NC, NP, D), h, W_self[l - 1],
                                   deg, W_rel[l])
        acc = _edge_pass(hw.reshape(R * NP, D), ci3, dst_p, zeros_init, deg)

    wcat = jnp.pad(jnp.stack([fc_w[:D, 0], fc_w[D:2 * D, 0],
                              fc_w[2 * D:3 * D, 0]], axis=1),
                   ((0, 0), (0, D - 3)))
    wr = fc_w[3 * D:, 0].reshape(1, RELD)
    out = _tail(acc.reshape(NC, NP, D), h, W_self[L - 1], deg, seg_p,
                head_ids.astype(jnp.int32).reshape(B, 1),
                tail_ids.astype(jnp.int32).reshape(B, 1),
                rel_labels.astype(jnp.int32).reshape(B, 1),
                rel_emb, wr, wcat, fc_b.reshape(1, 1))
    return out

# --- scband reference (transcript-rebuilt; emitter-appended) ---
"""Pipeline reference for scband-graph-classifier-82609400971303 (READ-ONLY COPY).

The authoritative reference and input builder live on the scoring server;
editing this copy changes nothing except your own understanding.
"""

import jax, jax.numpy as jnp
import numpy as np

N = 10000      # nodes in batched graph
E = 320000     # edges
D = 128        # emb_dim
R = 8          # num_rels
RELD = 32      # rel_emb_dim
B = 100        # number of subgraphs in batch
L = 2          # num_gcn_layers


def setup_inputs(seed: int = 0) -> dict:
    key = jax.random.key(seed)
    ks = jax.random.split(key, 12)
    x = jax.random.normal(ks[0], (N, D), dtype=jnp.float32)
    edge_index = jax.random.randint(ks[1], (2, E), 0, N, dtype=jnp.int64)
    edge_type = jax.random.randint(ks[2], (E,), 0, R, dtype=jnp.int64)
    segment_ids = jnp.sort(jax.random.randint(ks[3], (N,), 0, B, dtype=jnp.int64))
    head_ids = jax.random.randint(ks[4], (B,), 0, N, dtype=jnp.int64)
    tail_ids = jax.random.randint(ks[5], (B,), 0, N, dtype=jnp.int64)
    rel_labels = jax.random.randint(ks[6], (B,), 0, R, dtype=jnp.int64)
    # learned parameters
    W_rel = jax.random.normal(ks[7], (L, R, D, D), dtype=jnp.float32) * 0.05
    W_self = jax.random.normal(ks[8], (L, D, D), dtype=jnp.float32) * 0.05
    rel_emb = jax.random.normal(ks[9], (R, RELD), dtype=jnp.float32)
    fc_w = jax.random.normal(ks[10], (3 * D + RELD, 1), dtype=jnp.float32) * 0.05
    fc_b = jnp.zeros((1,), dtype=jnp.float32)
    return {
        'x': x, 'edge_index': edge_index, 'edge_type': edge_type,
        'segment_ids': segment_ids, 'head_ids': head_ids, 'tail_ids': tail_ids,
        'rel_labels': rel_labels, 'W_rel': W_rel, 'W_self': W_self,
        'rel_emb': rel_emb, 'fc_w': fc_w, 'fc_b': fc_b,
    }


def reference(x, edge_index, edge_type, segment_ids, head_ids, tail_ids,
              rel_labels, W_rel, W_self, rel_emb, fc_w, fc_b):
    src = edge_index[0]
    dst = edge_index[1]
    # node norm: 1 / in_degree (in_degree==0 -> 1), broadcast to edges via dst
    in_deg = jnp.zeros((N,), dtype=jnp.float32).at[dst].add(1.0)
    in_deg = jnp.where(in_deg == 0.0, 1.0, in_deg)
    node_norm = 1.0 / in_deg
    norm = node_norm[dst]
    # RGCN layers (relation-typed message passing + self loop, ReLU)
    h = x
    for l in range(L):
        hW = jnp.einsum('nd,rdf->rnf', h, W_rel[l])      # per-relation transform
        msg = hW[edge_type, src] * norm[:, None]          # gather per edge
        agg = jnp.zeros((N, D), dtype=jnp.float32).at[dst].add(msg)  # scatter-add
        h = jax.nn.relu(agg + h @ W_self[l])
    repr_ = h  # no_jk=True -> only final GCN layer representation
    # mean_nodes over each subgraph
    counts = jnp.zeros((B,), dtype=jnp.float32).at[segment_ids].add(1.0)
    counts = jnp.maximum(counts, 1.0)
    g_out = jnp.zeros((B, D), dtype=jnp.float32).at[segment_ids].add(repr_) / counts[:, None]
    head_embs = repr_[head_ids]
    tail_embs = repr_[tail_ids]
    g_rep = jnp.concatenate([
        g_out.reshape(-1, D), head_embs.reshape(-1, D), tail_embs.reshape(-1, D),
        rel_emb[rel_labels],
    ], axis=1)
    output = g_rep @ fc_w + fc_b
    return output

if __name__ == "__main__":
    import jax
    _d = setup_inputs()
    print(jax.jit(kernel)(*tuple(_d.values())))

</pallas_src>

<mosaic_0001>
#map = affine_map<(d0, d1) -> (0, 0)>
#map1 = affine_map<(d0, d1) -> (0, 0, 0)>
#map2 = affine_map<(d0, d1) -> (0)>
module attributes {stable_mosaic.version = 14 : i64} {
  func.func @_edge_pass(%arg0: i32, %arg1: i32, %arg2: memref<81920x128xf32, #tpu.memory_space<hbm>>, %arg3: memref<32x80x128xi32, #tpu.memory_space<hbm>>, %arg4: memref<327680xi32, #tpu.memory_space<hbm>>, %arg5: memref<10240x128xf32, #tpu.memory_space<hbm>>, %arg6: memref<32x10240xf32, #tpu.memory_space<hbm>>, %arg7: memref<20480x128xf32, #tpu.memory_space<hbm>>, %arg8: memref<80x128xi32, #tpu.memory_space<vmem>>, %arg9: memref<128xi32, #tpu.memory_space<vmem>>, %arg10: memref<128xi32, #tpu.memory_space<vmem>>, %arg11: memref<128x128xf32, #tpu.memory_space<vmem>>, %arg12: memref<128x128xf32, #tpu.memory_space<vmem>>, %arg13: memref<10240x128xf32, #tpu.memory_space<vmem_shared>>, %arg14: memref<!tpu.dma_semaphore, #tpu.memory_space<semaphore_mem>>, %arg15: memref<!tpu.dma_semaphore, #tpu.memory_space<semaphore_mem>>, %arg16: memref<!tpu.dma_semaphore, #tpu.memory_space<semaphore_mem>>, %arg17: memref<!tpu.dma_semaphore, #tpu.memory_space<semaphore_mem>>, %arg18: memref<!tpu.dma_semaphore, #tpu.memory_space<semaphore_mem>>) attributes {dimension_semantics = [#tpu.dimension_semantics<core_parallel>, #tpu.dimension_semantics<subcore_parallel>], iteration_bounds = array<i64: 2, 16>, scalar_prefetch = 0 : i64, scratch_operands = 11 : i64, tpu.core_type = #tpu.core_type<sc_vector_subcore>, window_params = [{transform_indices = #map}, {transform_indices = #map1}, {transform_indices = #map2}, {transform_indices = #map}, {transform_indices = #map}, {transform_indices = #map}]} {
    %mul3A = arith.constant 2 : i32
    %mul3A_0 = arith.muli %arg1, %mul3A : i32
    %add3A = arith.addi %mul3A_0, %arg0 : i32
    %mul3A_1 = arith.constant 640 : i32
    %mul3A_2 = arith.muli %arg1, %mul3A_1 : i32
    %mul3A_3 = arith.constant 640 : i32
    %mul3A_4 = arith.muli %arg1, %mul3A_3 : i32
    %dma_start3A = arith.constant 0 : i32
    %dma_start3A_5 = tpu.memref_slice %arg13[%mul3A_4, %dma_start3A] : memref<10240x128xf32, #tpu.memory_space<vmem_shared>> -> memref<640x128xf32, #tpu.memory_space<vmem_shared>>
    %dma_start3A_6 = arith.constant 0 : i32
    %dma_start3A_7 = tpu.memref_slice %arg5[%mul3A_2, %dma_start3A_6] : memref<10240x128xf32, #tpu.memory_space<hbm>> -> memref<640x128xf32, #tpu.memory_space<hbm>>
    tpu.enqueue_dma source(%dma_start3A_7 : memref<640x128xf32, #tpu.memory_space<hbm>>) target(%dma_start3A_5 : memref<640x128xf32, #tpu.memory_space<vmem_shared>>) target_semaphore(%arg18 : memref<!tpu.dma_semaphore, #tpu.memory_space<semaphore_mem>>)
    "tpu.region"() ({
      %run_scoped3A = tpu.sem_alloc : memref<!tpu.dma_semaphore, #tpu.memory_space<semaphore_mem>>
      %dma_start3A_42 = arith.constant 0 : i32
      %dma_start3A_43 = arith.constant 0 : i32
      %dma_start3A_44 = tpu.memref_slice %arg3[%add3A, %dma_start3A_42, %dma_start3A_43] : memref<32x80x128xi32, #tpu.memory_space<hbm>> -> memref<1x80x128xi32, #tpu.memory_space<hbm>>
      %dma_start3A_45 = tpu.memref_squeeze %dma_start3A_44 : memref<1x80x128xi32, #tpu.memory_space<hbm>> -> memref<80x128xi32, #tpu.memory_space<hbm>>
      %dma_start3A_46 = arith.constant 0 : i32
      %dma_start3A_47 = arith.constant 0 : i32
      %dma_start3A_48 = tpu.memref_slice %arg3[%add3A, %dma_start3A_46, %dma_start3A_47] : memref<32x80x128xi32, #tpu.memory_space<hbm>> -> memref<1x80x128xi32, #tpu.memory_space<hbm>>
      %dma_start3A_49 = tpu.memref_squeeze %dma_start3A_48 : memref<1x80x128xi32, #tpu.memory_space<hbm>> -> memref<80x128xi32, #tpu.memory_space<hbm>>
      tpu.enqueue_dma source(%dma_start3A_49 : memref<80x128xi32, #tpu.memory_space<hbm>>) target(%arg8 : memref<80x128xi32, #tpu.memory_space<vmem>>) target_semaphore(%run_scoped3A : memref<!tpu.dma_semaphore, #tpu.memory_space<semaphore_mem>>)
      %dma_wait3A_50 = arith.constant 0 : i32
      %dma_wait3A_51 = arith.constant 0 : i32
      %dma_wait3A_52 = tpu.memref_slice %arg3[%add3A, %dma_wait3A_50, %dma_wait3A_51] : memref<32x80x128xi32, #tpu.memory_space<hbm>> -> memref<1x80x128xi32, #tpu.memory_space<hbm>>
      %dma_wait3A_53 = tpu.memref_squeeze %dma_wait3A_52 : memref<1x80x128xi32, #tpu.memory_space<hbm>> -> memref<80x128xi32, #tpu.memory_space<hbm>>
      %dma_wait3A_54 = arith.constant 0 : i32
      %dma_wait3A_55 = arith.constant 0 : i32
      %dma_wait3A_56 = tpu.memref_slice %arg3[%add3A, %dma_wait3A_54, %dma_wait3A_55] : memref<32x80x128xi32, #tpu.memory_space<hbm>> -> memref<1x80x128xi32, #tpu.memory_space<hbm>>
      %dma_wait3A_57 = tpu.memref_squeeze %dma_wait3A_56 : memref<1x80x128xi32, #tpu.memory_space<hbm>> -> memref<80x128xi32, #tpu.memory_space<hbm>>
      tpu.wait_dma2 semaphore(%run_scoped3A : memref<!tpu.dma_semaphore, #tpu.memory_space<semaphore_mem>>) src(%dma_wait3A_57 : memref<80x128xi32, #tpu.memory_space<hbm>>) dst(%arg8 : memref<80x128xi32, #tpu.memory_space<vmem>>)
      tpu.yield
    }) : () -> ()
    %mul3A_8 = arith.constant 10240 : i32
    %mul3A_9 = arith.muli %add3A, %mul3A_8 : i32
    %add3A_10 = arith.constant 0 : i32
    %add3A_11 = arith.addi %mul3A_9, %add3A_10 : i32
    %dma_start3A_12 = tpu.memref_slice %arg4[%add3A_11] : memref<327680xi32, #tpu.memory_space<hbm>> -> memref<128xi32, #tpu.memory_space<hbm>>
    %dma_start3A_13 = tpu.memref_slice %arg4[%add3A_11] : memref<327680xi32, #tpu.memory_space<hbm>> -> memref<128xi32, #tpu.memory_space<hbm>>
    tpu.enqueue_dma source(%dma_start3A_13 : memref<128xi32, #tpu.memory_space<hbm>>) target(%arg9 : memref<128xi32, #tpu.memory_space<vmem>>) target_semaphore(%arg16 : memref<!tpu.dma_semaphore, #tpu.memory_space<semaphore_mem>>)
    %dma_start3A_14 = arith.constant 0 : i32
    %dma_start3A_15 = arith.constant 0 : i32
    %dma_start3A_16 = tpu.memref_slice %arg8[%dma_start3A_14, %dma_start3A_15] : memref<80x128xi32, #tpu.memory_space<vmem>> -> memref<1x128xi32, #tpu.memory_space<vmem>>
    %dma_start3A_17 = tpu.memref_squeeze %dma_start3A_16 : memref<1x128xi32, #tpu.memory_space<vmem>> -> memref<128xi32, #tpu.memory_space<vmem>>
    %dma_start3A_18 = arith.constant 0 : i32
    %dma_start3A_19 = arith.constant 0 : i32
    %dma_start3A_20 = tpu.memref_slice %arg2[%dma_start3A_18, %dma_start3A_19] : memref<81920x128xf32, #tpu.memory_space<hbm>> -> memref<81920x128xf32, #tpu.memory_space<hbm>>
    tpu.enqueue_indirect_dma source(%dma_start3A_20 : memref<81920x128xf32, #tpu.memory_space<hbm>>) target(%arg11 : memref<128x128xf32, #tpu.memory_space<vmem>>) offsets(%dma_start3A_17 : memref<128xi32, #tpu.memory_space<vmem>>) semaphore(%arg14 : memref<!tpu.dma_semaphore, #tpu.memory_space<semaphore_mem>>)
    %mul3A_21 = arith.constant 640 : i32
    %mul3A_22 = arith.muli %arg1, %mul3A_21 : i32
    %mul3A_23 = arith.constant 640 : i32
    %mul3A_24 = arith.muli %arg1, %mul3A_23 : i32
    %dma_wait3A = arith.constant 0 : i32
    %dma_wait3A_25 = tpu.memref_slice %arg13[%mul3A_24, %dma_wait3A] : memref<10240x128xf32, #tpu.memory_space<vmem_shared>> -> memref<640x128xf32, #tpu.memory_space<vmem_shared>>
    %dma_wait3A_26 = arith.constant 0 : i32
    %dma_wait3A_27 = tpu.memref_slice %arg5[%mul3A_22, %dma_wait3A_26] : memref<10240x128xf32, #tpu.memory_space<hbm>> -> memref<640x128xf32, #tpu.memory_space<hbm>>
    tpu.wait_dma2 semaphore(%arg18 : memref<!tpu.dma_semaphore, #tpu.memory_space<semaphore_mem>>) src(%dma_wait3A_27 : memref<640x128xf32, #tpu.memory_space<hbm>>) dst(%dma_wait3A_25 : memref<640x128xf32, #tpu.memory_space<vmem_shared>>)
    %barrier3A = arith.constant 0 : index
    tpu.barrier barrier_id(%barrier3A)
    %scan3A = arith.constant 0 : i32
    %scan3A_28 = arith.constant 0 : i32
    %scan3A_29 = arith.constant 40 : i32
    %scan3A_30 = arith.addi %scan3A_28, %scan3A_29 : i32
    %scan3A_31 = arith.constant 1 : i32
    %scan3A_32 = scf.for %scan3A_42 = %scan3A_28 to %scan3A_30 step %scan3A_31 iter_args(%scan3A_43 = %scan3A) -> (i32)  : i32 {
      %mul3A_44 = arith.constant 2 : i32
      %mul3A_45 = arith.muli %scan3A_42, %mul3A_44 : i32
      %add3A_46 = arith.constant 0 : i32
      %add3A_47 = arith.addi %mul3A_45, %add3A_46 : i32
      %add3A_48 = arith.constant 1 : i32
      %add3A_49 = arith.addi %add3A_47, %add3A_48 : i32
      %lt3A = arith.constant 80 : i32
      %lt3A_50 = arith.cmpi slt, %add3A_49, %lt3A : i32
      %convert_element_type3A = arith.extui %lt3A_50 : i1 to i32
      %cond3A = arith.constant 0 : i32
      %cond3A_51 = arith.cmpi ne, %convert_element_type3A, %cond3A : i32
      scf.if %cond3A_51 {
        %add3A_84 = arith.constant 1 : i32
        %add3A_85 = arith.addi %add3A_47, %add3A_84 : i32
        %mul3A_86 = arith.constant 128 : i32
        %mul3A_87 = arith.muli %add3A_85, %mul3A_86 : i32
        %add3A_88 = arith.addi %mul3A_9, %mul3A_87 : i32
        %dma_start3A_89 = tpu.memref_slice %arg4[%add3A_88] : memref<327680xi32, #tpu.memory_space<hbm>> -> memref<128xi32, #tpu.memory_space<hbm>>
        %dma_start3A_90 = tpu.memref_slice %arg4[%add3A_88] : memref<327680xi32, #tpu.memory_space<hbm>> -> memref<128xi32, #tpu.memory_space<hbm>>
        tpu.enqueue_dma source(%dma_start3A_90 : memref<128xi32, #tpu.memory_space<hbm>>) target(%arg10 : memref<128xi32, #tpu.memory_space<vmem>>) target_semaphore(%arg17 : memref<!tpu.dma_semaphore, #tpu.memory_space<semaphore_mem>>)
        %dma_start3A_91 = arith.constant 0 : i32
        %dma_start3A_92 = tpu.memref_slice %arg8[%add3A_85, %dma_start3A_91] : memref<80x128xi32, #tpu.memory_space<vmem>> -> memref<1x128xi32, #tpu.memory_space<vmem>>
        %dma_start3A_93 = tpu.memref_squeeze %dma_start3A_92 : memref<1x128xi32, #tpu.memory_space<vmem>> -> memref<128xi32, #tpu.memory_space<vmem>>
        %dma_start3A_94 = arith.constant 0 : i32
        %dma_start3A_95 = arith.constant 0 : i32
        %dma_start3A_96 = tpu.memref_slice %arg2[%dma_start3A_94, %dma_start3A_95] : memref<81920x128xf32, #tpu.memory_space<hbm>> -> memref<81920x128xf32, #tpu.memory_space<hbm>>
        tpu.enqueue_indirect_dma source(%dma_start3A_96 : memref<81920x128xf32, #tpu.memory_space<hbm>>) target(%arg12 : memref<128x128xf32, #tpu.memory_space<vmem>>) offsets(%dma_start3A_93 : memref<128xi32, #tpu.memory_space<vmem>>) semaphore(%arg15 : memref<!tpu.dma_semaphore, #tpu.memory_space<semaphore_mem>>)
      } else {
      }
      %mul3A_52 = arith.constant 128 : i32
      %mul3A_53 = arith.muli %add3A_47, %mul3A_52 : i32
      %add3A_54 = arith.addi %mul3A_9, %mul3A_53 : i32
      %dma_wait3A_55 = tpu.memref_slice %arg4[%add3A_54] : memref<327680xi32, #tpu.memory_space<hbm>> -> memref<128xi32, #tpu.memory_space<hbm>>
      %dma_wait3A_56 = tpu.memref_slice %arg4[%add3A_54] : memref<327680xi32, #tpu.memory_space<hbm>> -> memref<128xi32, #tpu.memory_space<hbm>>
      tpu.wait_dma2 semaphore(%arg16 : memref<!tpu.dma_semaphore, #tpu.memory_space<semaphore_mem>>) src(%dma_wait3A_56 : memref<128xi32, #tpu.memory_space<hbm>>) dst(%arg9 : memref<128xi32, #tpu.memory_space<vmem>>)
      %dma_wait3A_57 = arith.constant 0 : i32
      %dma_wait3A_58 = tpu.memref_slice %arg8[%add3A_47, %dma_wait3A_57] : memref<80x128xi32, #tpu.memory_space<vmem>> -> memref<1x128xi32, #tpu.memory_space<vmem>>
      %dma_wait3A_59 = tpu.memref_squeeze %dma_wait3A_58 : memref<1x128xi32, #tpu.memory_space<vmem>> -> memref<128xi32, #tpu.memory_space<vmem>>
      %dma_wait3A_60 = arith.constant 0 : i32
      %dma_wait3A_61 = arith.constant 0 : i32
      %dma_wait3A_62 = tpu.memref_slice %arg2[%dma_wait3A_60, %dma_wait3A_61] : memref<81920x128xf32, #tpu.memory_space<hbm>> -> memref<81920x128xf32, #tpu.memory_space<hbm>>
      tpu.wait_indirect_dma semaphore(%arg14 : memref<!tpu.dma_semaphore, #tpu.memory_space<semaphore_mem>>) src(%dma_wait3A_62 : memref<81920x128xf32, #tpu.memory_space<hbm>>) dst(%arg11 : memref<128x128xf32, #tpu.memory_space<vmem>>)
      "tpu.region"() ({
        %run_scoped3A = tpu.sem_alloc : memref<!tpu.dma_semaphore, #tpu.memory_space<semaphore_mem>>
        %dma_start3A_84 = arith.constant 0 : i32
        %dma_start3A_85 = arith.constant 0 : i32
        %dma_start3A_86 = tpu.memref_slice %arg13[%dma_start3A_84, %dma_start3A_85] : memref<10240x128xf32, #tpu.memory_space<vmem_shared>> -> memref<10240x128xf32, #tpu.memory_space<vmem_shared>>
        tpu.enqueue_indirect_dma source(%arg11 : memref<128x128xf32, #tpu.memory_space<vmem>>) target(%dma_start3A_86 : memref<10240x128xf32, #tpu.memory_space<vmem_shared>>) offsets(%arg9 : memref<128xi32, #tpu.memory_space<vmem>>) semaphore(%run_scoped3A : memref<!tpu.dma_semaphore, #tpu.memory_space<semaphore_mem>>) {add = true}
        %dma_wait3A_87 = arith.constant 0 : i32
        %dma_wait3A_88 = arith.constant 0 : i32
        %dma_wait3A_89 = tpu.memref_slice %arg13[%dma_wait3A_87, %dma_wait3A_88] : memref<10240x128xf32, #tpu.memory_space<vmem_shared>> -> memref<10240x128xf32, #tpu.memory_space<vmem_shared>>
        tpu.wait_indirect_dma semaphore(%run_scoped3A : memref<!tpu.dma_semaphore, #tpu.memory_space<semaphore_mem>>) src(%arg11 : memref<128x128xf32, #tpu.memory_space<vmem>>) dst(%dma_wait3A_89 : memref<10240x128xf32, #tpu.memory_space<vmem_shared>>)
        tpu.yield
      }) : () -> ()
      %add3A_63 = arith.constant 1 : i32
      %add3A_64 = arith.addi %mul3A_45, %add3A_63 : i32
      %add3A_65 = arith.constant 1 : i32
      %add3A_66 = arith.addi %add3A_64, %add3A_65 : i32
      %lt3A_67 = arith.constant 80 : i32
      %lt3A_68 = arith.cmpi slt, %add3A_66, %lt3A_67 : i32
      %convert_element_type3A_69 = arith.extui %lt3A_68 : i1 to i32
      %cond3A_70 = arith.constant 0 : i32
      %cond3A_71 = arith.cmpi ne, %convert_element_type3A_69, %cond3A_70 : i32
      scf.if %cond3A_71 {
        %add3A_84 = arith.constant 1 : i32
        %add3A_85 = arith.addi %add3A_64, %add3A_84 : i32
        %mul3A_86 = arith.constant 128 : i32
        %mul3A_87 = arith.muli %add3A_85, %mul3A_86 : i32
        %add3A_88 = arith.addi %mul3A_9, %mul3A_87 : i32
        %dma_start3A_89 = tpu.memref_slice %arg4[%add3A_88] : memref<327680xi32, #tpu.memory_space<hbm>> -> memref<128xi32, #tpu.memory_space<hbm>>
        %dma_start3A_90 = tpu.memref_slice %arg4[%add3A_88] : memref<327680xi32, #tpu.memory_space<hbm>> -> memref<128xi32, #tpu.memory_space<hbm>>
        tpu.enqueue_dma source(%dma_start3A_90 : memref<128xi32, #tpu.memory_space<hbm>>) target(%arg9 : memref<128xi32, #tpu.memory_space<vmem>>) target_semaphore(%arg16 : memref<!tpu.dma_semaphore, #tpu.memory_space<semaphore_mem>>)
        %dma_start3A_91 = arith.constant 0 : i32
        %dma_start3A_92 = tpu.memref_slice %arg8[%add3A_85, %dma_start3A_91] : memref<80x128xi32, #tpu.memory_space<vmem>> -> memref<1x128xi32, #tpu.memory_space<vmem>>
        %dma_start3A_93 = tpu.memref_squeeze %dma_start3A_92 : memref<1x128xi32, #tpu.memory_space<vmem>> -> memref<128xi32, #tpu.memory_space<vmem>>
        %dma_start3A_94 = arith.constant 0 : i32
        %dma_start3A_95 = arith.constant 0 : i32
        %dma_start3A_96 = tpu.memref_slice %arg2[%dma_start3A_94, %dma_start3A_95] : memref<81920x128xf32, #tpu.memory_space<hbm>> -> memref<81920x128xf32, #tpu.memory_space<hbm>>
        tpu.enqueue_indirect_dma source(%dma_start3A_96 : memref<81920x128xf32, #tpu.memory_space<hbm>>) target(%arg11 : memref<128x128xf32, #tpu.memory_space<vmem>>) offsets(%dma_start3A_93 : memref<128xi32, #tpu.memory_space<vmem>>) semaphore(%arg14 : memref<!tpu.dma_semaphore, #tpu.memory_space<semaphore_mem>>)
      } else {
      }
      %mul3A_72 = arith.constant 128 : i32
      %mul3A_73 = arith.muli %add3A_64, %mul3A_72 : i32
      %add3A_74 = arith.addi %mul3A_9, %mul3A_73 : i32
      %dma_wait3A_75 = tpu.memref_slice %arg4[%add3A_74] : memref<327680xi32, #tpu.memory_space<hbm>> -> memref<128xi32, #tpu.memory_space<hbm>>
      %dma_wait3A_76 = tpu.memref_slice %arg4[%add3A_74] : memref<327680xi32, #tpu.memory_space<hbm>> -> memref<128xi32, #tpu.memory_space<hbm>>
      tpu.wait_dma2 semaphore(%arg17 : memref<!tpu.dma_semaphore, #tpu.memory_space<semaphore_mem>>) src(%dma_wait3A_76 : memref<128xi32, #tpu.memory_space<hbm>>) dst(%arg10 : memref<128xi32, #tpu.memory_space<vmem>>)
      %dma_wait3A_77 = arith.constant 0 : i32
      %dma_wait3A_78 = tpu.memref_slice %arg8[%add3A_64, %dma_wait3A_77] : memref<80x128xi32, #tpu.memory_space<vmem>> -> memref<1x128xi32, #tpu.memory_space<vmem>>
      %dma_wait3A_79 = tpu.memref_squeeze %dma_wait3A_78 : memref<1x128xi32, #tpu.memory_space<vmem>> -> memref<128xi32, #tpu.memory_space<vmem>>
      %dma_wait3A_80 = arith.constant 0 : i32
      %dma_wait3A_81 = arith.constant 0 : i32
      %dma_wait3A_82 = tpu.memref_slice %arg2[%dma_wait3A_80, %dma_wait3A_81] : memref<81920x128xf32, #tpu.memory_space<hbm>> -> memref<81920x128xf32, #tpu.memory_space<hbm>>
      tpu.wait_indirect_dma semaphore(%arg15 : memref<!tpu.dma_semaphore, #tpu.memory_space<semaphore_mem>>) src(%dma_wait3A_82 : memref<81920x128xf32, #tpu.memory_space<hbm>>) dst(%arg12 : memref<128x128xf32, #tpu.memory_space<vmem>>)
      "tpu.region"() ({
        %run_scoped3A = tpu.sem_alloc : memref<!tpu.dma_semaphore, #tpu.memory_space<semaphore_mem>>
        %dma_start3A_84 = arith.constant 0 : i32
        %dma_start3A_85 = arith.constant 0 : i32
        %dma_start3A_86 = tpu.memref_slice %arg13[%dma_start3A_84, %dma_start3A_85] : memref<10240x128xf32, #tpu.memory_space<vmem_shared>> -> memref<10240x128xf32, #tpu.memory_space<vmem_shared>>
        tpu.enqueue_indirect_dma source(%arg12 : memref<128x128xf32, #tpu.memory_space<vmem>>) target(%dma_start3A_86 : memref<10240x128xf32, #tpu.memory_space<vmem_shared>>) offsets(%arg10 : memref<128xi32, #tpu.memory_space<vmem>>) semaphore(%run_scoped3A : memref<!tpu.dma_semaphore, #tpu.memory_space<semaphore_mem>>) {add = true}
        %dma_wait3A_87 = arith.constant 0 : i32
        %dma_wait3A_88 = arith.constant 0 : i32
        %dma_wait3A_89 = tpu.memref_slice %arg13[%dma_wait3A_87, %dma_wait3A_88] : memref<10240x128xf32, #tpu.memory_space<vmem_shared>> -> memref<10240x128xf32, #tpu.memory_space<vmem_shared>>
        tpu.wait_indirect_dma semaphore(%run_scoped3A : memref<!tpu.dma_semaphore, #tpu.memory_space<semaphore_mem>>) src(%arg12 : memref<128x128xf32, #tpu.memory_space<vmem>>) dst(%dma_wait3A_89 : memref<10240x128xf32, #tpu.memory_space<vmem_shared>>)
        tpu.yield
      }) : () -> ()
      %scan3A_83 = arith.constant 0 : i32
      scf.yield %scan3A_83 : i32
    }
    %scan3A_33 = arith.constant 40 : i32
    %barrier3A_34 = arith.constant 0 : index
    tpu.barrier barrier_id(%barrier3A_34)
    %mul3A_35 = arith.constant 640 : i32
    %mul3A_36 = arith.muli %arg1, %mul3A_35 : i32
    %mul3A_37 = arith.constant 10240 : i32
    %mul3A_38 = arith.muli %arg0, %mul3A_37 : i32
    %mul3A_39 = arith.constant 640 : i32
    %mul3A_40 = arith.muli %arg1, %mul3A_39 : i32
    %add3A_41 = arith.addi %mul3A_38, %mul3A_40 : i32
    "tpu.region"() ({
      %run_scoped3A = tpu.sem_alloc : memref<!tpu.dma_semaphore, #tpu.memory_space<semaphore_mem>>
      %dma_start3A_42 = arith.constant 0 : i32
      %dma_start3A_43 = tpu.memref_slice %arg7[%add3A_41, %dma_start3A_42] : memref<20480x128xf32, #tpu.memory_space<hbm>> -> memref<640x128xf32, #tpu.memory_space<hbm>>
      %dma_start3A_44 = arith.constant 0 : i32
      %dma_start3A_45 = tpu.memref_slice %arg13[%mul3A_36, %dma_start3A_44] : memref<10240x128xf32, #tpu.memory_space<vmem_shared>> -> memref<640x128xf32, #tpu.memory_space<vmem_shared>>
      tpu.enqueue_dma source(%dma_start3A_45 : memref<640x128xf32, #tpu.memory_space<vmem_shared>>) target(%dma_start3A_43 : memref<640x128xf32, #tpu.memory_space<hbm>>) target_semaphore(%run_scoped3A : memref<!tpu.dma_semaphore, #tpu.memory_space<semaphore_mem>>)
      %dma_wait3A_46 = arith.constant 0 : i32
      %dma_wait3A_47 = tpu.memref_slice %arg7[%add3A_41, %dma_wait3A_46] : memref<20480x128xf32, #tpu.memory_space<hbm>> -> memref<640x128xf32, #tpu.memory_space<hbm>>
      %dma_wait3A_48 = arith.constant 0 : i32
      %dma_wait3A_49 = tpu.memref_slice %arg13[%mul3A_36, %dma_wait3A_48] : memref<10240x128xf32, #tpu.memory_space<vmem_shared>> -> memref<640x128xf32, #tpu.memory_space<vmem_shared>>
      tpu.wait_dma2 semaphore(%run_scoped3A : memref<!tpu.dma_semaphore, #tpu.memory_space<semaphore_mem>>) src(%dma_wait3A_49 : memref<640x128xf32, #tpu.memory_space<vmem_shared>>) dst(%dma_wait3A_47 : memref<640x128xf32, #tpu.memory_space<hbm>>)
      tpu.yield
    }) : () -> ()
    return
  }
}

#map = affine_map<(d0, d1) -> (0, 0)>
#map1 = affine_map<(d0, d1) -> (0, 0, 0)>
#map2 = affine_map<(d0, d1) -> (0)>
module attributes {stable_mosaic.version = 14 : i64} {
  func.func @_edge_pass(%arg0: i32, %arg1: i32, %arg2: memref<81920x128xf32, #tpu.memory_space<hbm>>, %arg3: memref<32x80x128xi32, #tpu.memory_space<hbm>>, %arg4: memref<327680xi32, #tpu.memory_space<hbm>>, %arg5: memref<10240x128xf32, #tpu.memory_space<hbm>>, %arg6: memref<32x10240xf32, #tpu.memory_space<hbm>>, %arg7: memref<20480x128xf32, #tpu.memory_space<hbm>>, %arg8: memref<80x128xi32, #tpu.memory_space<vmem>>, %arg9: memref<128xi32, #tpu.memory_space<vmem>>, %arg10: memref<128xi32, #tpu.memory_space<vmem>>, %arg11: memref<128x128xf32, #tpu.memory_space<vmem>>, %arg12: memref<128x128xf32, #tpu.memory_space<vmem>>, %arg13: memref<10240x128xf32, #tpu.memory_space<vmem_shared>>, %arg14: memref<!tpu.dma_semaphore, #tpu.memory_space<semaphore_mem>>, %arg15: memref<!tpu.dma_semaphore, #tpu.memory_space<semaphore_mem>>, %arg16: memref<!tpu.dma_semaphore, #tpu.memory_space<semaphore_mem>>, %arg17: memref<!tpu.dma_semaphore, #tpu.memory_space<semaphore_mem>>, %arg18: memref<!tpu.dma_semaphore, #tpu.memory_space<semaphore_mem>>) attributes {dimension_semantics = [#tpu.dimension_semantics<core_parallel>, #tpu.dimension_semantics<subcore_parallel>], iteration_bounds = array<i64: 2, 16>, scalar_prefetch = 0 : i64, scratch_operands = 11 : i64, tpu.core_type = #tpu.core_type<sc_vector_subcore>, window_params = [{transform_indices = #map}, {transform_indices = #map1}, {transform_indices = #map2}, {transform_indices = #map}, {transform_indices = #map}, {transform_indices = #map}]} {
    %mul3A = arith.constant 2 : i32
    %mul3A_0 = arith.muli %arg1, %mul3A : i32
    %add3A = arith.addi %mul3A_0, %arg0 : i32
    %mul3A_1 = arith.constant 640 : i32
    %mul3A_2 = arith.muli %arg1, %mul3A_1 : i32
    %mul3A_3 = arith.constant 640 : i32
    %mul3A_4 = arith.muli %arg1, %mul3A_3 : i32
    %dma_start3A = arith.constant 0 : i32
    %dma_start3A_5 = tpu.memref_slice %arg13[%mul3A_4, %dma_start3A] : memref<10240x128xf32, #tpu.memory_space<vmem_shared>> -> memref<640x128xf32, #tpu.memory_space<vmem_shared>>
    %dma_start3A_6 = arith.constant 0 : i32
    %dma_start3A_7 = tpu.memref_slice %arg5[%mul3A_2, %dma_start3A_6] : memref<10240x128xf32, #tpu.memory_space<hbm>> -> memref<640x128xf32, #tpu.memory_space<hbm>>
    tpu.enqueue_dma source(%dma_start3A_7 : memref<640x128xf32, #tpu.memory_space<hbm>>) target(%dma_start3A_5 : memref<640x128xf32, #tpu.memory_space<vmem_shared>>) target_semaphore(%arg18 : memref<!tpu.dma_semaphore, #tpu.memory_space<semaphore_mem>>)
    "tpu.region"() ({
      %run_scoped3A = tpu.sem_alloc : memref<!tpu.dma_semaphore, #tpu.memory_space<semaphore_mem>>
      %dma_start3A_42 = arith.constant 0 : i32
      %dma_start3A_43 = arith.constant 0 : i32
      %dma_start3A_44 = tpu.memref_slice %arg3[%add3A, %dma_start3A_42, %dma_start3A_43] : memref<32x80x128xi32, #tpu.memory_space<hbm>> -> memref<1x80x128xi32, #tpu.memory_space<hbm>>
      %dma_start3A_45 = tpu.memref_squeeze %dma_start3A_44 : memref<1x80x128xi32, #tpu.memory_space<hbm>> -> memref<80x128xi32, #tpu.memory_space<hbm>>
      %dma_start3A_46 = arith.constant 0 : i32
      %dma_start3A_47 = arith.constant 0 : i32
      %dma_start3A_48 = tpu.memref_slice %arg3[%add3A, %dma_start3A_46, %dma_start3A_47] : memref<32x80x128xi32, #tpu.memory_space<hbm>> -> memref<1x80x128xi32, #tpu.memory_space<hbm>>
      %dma_start3A_49 = tpu.memref_squeeze %dma_start3A_48 : memref<1x80x128xi32, #tpu.memory_space<hbm>> -> memref<80x128xi32, #tpu.memory_space<hbm>>
      tpu.enqueue_dma source(%dma_start3A_49 : memref<80x128xi32, #tpu.memory_space<hbm>>) target(%arg8 : memref<80x128xi32, #tpu.memory_space<vmem>>) target_semaphore(%run_scoped3A : memref<!tpu.dma_semaphore, #tpu.memory_space<semaphore_mem>>)
      %dma_wait3A_50 = arith.constant 0 : i32
      %dma_wait3A_51 = arith.constant 0 : i32
      %dma_wait3A_52 = tpu.memref_slice %arg3[%add3A, %dma_wait3A_50, %dma_wait3A_51] : memref<32x80x128xi32, #tpu.memory_space<hbm>> -> memref<1x80x128xi32, #tpu.memory_space<hbm>>
      %dma_wait3A_53 = tpu.memref_squeeze %dma_wait3A_52 : memref<1x80x128xi32, #tpu.memory_space<hbm>> -> memref<80x128xi32, #tpu.memory_space<hbm>>
      %dma_wait3A_54 = arith.constant 0 : i32
      %dma_wait3A_55 = arith.constant 0 : i32
      %dma_wait3A_56 = tpu.memref_slice %arg3[%add3A, %dma_wait3A_54, %dma_wait3A_55] : memref<32x80x128xi32, #tpu.memory_space<hbm>> -> memref<1x80x128xi32, #tpu.memory_space<hbm>>
      %dma_wait3A_57 = tpu.memref_squeeze %dma_wait3A_56 : memref<1x80x128xi32, #tpu.memory_space<hbm>> -> memref<80x128xi32, #tpu.memory_space<hbm>>
      tpu.wait_dma2 semaphore(%run_scoped3A : memref<!tpu.dma_semaphore, #tpu.memory_space<semaphore_mem>>) src(%dma_wait3A_57 : memref<80x128xi32, #tpu.memory_space<hbm>>) dst(%arg8 : memref<80x128xi32, #tpu.memory_space<vmem>>)
      tpu.yield
    }) : () -> ()
    %mul3A_8 = arith.constant 10240 : i32
    %mul3A_9 = arith.muli %add3A, %mul3A_8 : i32
    %add3A_10 = arith.constant 0 : i32
    %add3A_11 = arith.addi %mul3A_9, %add3A_10 : i32
    %dma_start3A_12 = tpu.memref_slice %arg4[%add3A_11] : memref<327680xi32, #tpu.memory_space<hbm>> -> memref<128xi32, #tpu.memory_space<hbm>>
    %dma_start3A_13 = tpu.memref_slice %arg4[%add3A_11] : memref<327680xi32, #tpu.memory_space<hbm>> -> memref<128xi32, #tpu.memory_space<hbm>>
    tpu.enqueue_dma source(%dma_start3A_13 : memref<128xi32, #tpu.memory_space<hbm>>) target(%arg9 : memref<128xi32, #tpu.memory_space<vmem>>) target_semaphore(%arg16 : memref<!tpu.dma_semaphore, #tpu.memory_space<semaphore_mem>>)
    %dma_start3A_14 = arith.constant 0 : i32
    %dma_start3A_15 = arith.constant 0 : i32
    %dma_start3A_16 = tpu.memref_slice %arg8[%dma_start3A_14, %dma_start3A_15] : memref<80x128xi32, #tpu.memory_space<vmem>> -> memref<1x128xi32, #tpu.memory_space<vmem>>
    %dma_start3A_17 = tpu.memref_squeeze %dma_start3A_16 : memref<1x128xi32, #tpu.memory_space<vmem>> -> memref<128xi32, #tpu.memory_space<vmem>>
    %dma_start3A_18 = arith.constant 0 : i32
    %dma_start3A_19 = arith.constant 0 : i32
    %dma_start3A_20 = tpu.memref_slice %arg2[%dma_start3A_18, %dma_start3A_19] : memref<81920x128xf32, #tpu.memory_space<hbm>> -> memref<81920x128xf32, #tpu.memory_space<hbm>>
    tpu.enqueue_indirect_dma source(%dma_start3A_20 : memref<81920x128xf32, #tpu.memory_space<hbm>>) target(%arg11 : memref<128x128xf32, #tpu.memory_space<vmem>>) offsets(%dma_start3A_17 : memref<128xi32, #tpu.memory_space<vmem>>) semaphore(%arg14 : memref<!tpu.dma_semaphore, #tpu.memory_space<semaphore_mem>>)
    %mul3A_21 = arith.constant 640 : i32
    %mul3A_22 = arith.muli %arg1, %mul3A_21 : i32
    %mul3A_23 = arith.constant 640 : i32
    %mul3A_24 = arith.muli %arg1, %mul3A_23 : i32
    %dma_wait3A = arith.constant 0 : i32
    %dma_wait3A_25 = tpu.memref_slice %arg13[%mul3A_24, %dma_wait3A] : memref<10240x128xf32, #tpu.memory_space<vmem_shared>> -> memref<640x128xf32, #tpu.memory_space<vmem_shared>>
    %dma_wait3A_26 = arith.constant 0 : i32
    %dma_wait3A_27 = tpu.memref_slice %arg5[%mul3A_22, %dma_wait3A_26] : memref<10240x128xf32, #tpu.memory_space<hbm>> -> memref<640x128xf32, #tpu.memory_space<hbm>>
    tpu.wait_dma2 semaphore(%arg18 : memref<!tpu.dma_semaphore, #tpu.memory_space<semaphore_mem>>) src(%dma_wait3A_27 : memref<640x128xf32, #tpu.memory_space<hbm>>) dst(%dma_wait3A_25 : memref<640x128xf32, #tpu.memory_space<vmem_shared>>)
    %barrier3A = arith.constant 0 : index
    tpu.barrier barrier_id(%barrier3A)
    %scan3A = arith.constant 0 : i32
    %scan3A_28 = arith.constant 0 : i32
    %scan3A_29 = arith.constant 40 : i32
    %scan3A_30 = arith.addi %scan3A_28, %scan3A_29 : i32
    %scan3A_31 = arith.constant 1 : i32
    %scan3A_32 = scf.for %scan3A_42 = %scan3A_28 to %scan3A_30 step %scan3A_31 iter_args(%scan3A_43 = %scan3A) -> (i32)  : i32 {
      %mul3A_44 = arith.constant 2 : i32
      %mul3A_45 = arith.muli %scan3A_42, %mul3A_44 : i32
      %add3A_46 = arith.constant 0 : i32
      %add3A_47 = arith.addi %mul3A_45, %add3A_46 : i32
      %add3A_48 = arith.constant 1 : i32
      %add3A_49 = arith.addi %add3A_47, %add3A_48 : i32
      %lt3A = arith.constant 80 : i32
      %lt3A_50 = arith.cmpi slt, %add3A_49, %lt3A : i32
      %convert_element_type3A = arith.extui %lt3A_50 : i1 to i32
      %cond3A = arith.constant 0 : i32
      %cond3A_51 = arith.cmpi ne, %convert_element_type3A, %cond3A : i32
      scf.if %cond3A_51 {
        %add3A_84 = arith.constant 1 : i32
        %add3A_85 = arith.addi %add3A_47, %add3A_84 : i32
        %mul3A_86 = arith.constant 128 : i32
        %mul3A_87 = arith.muli %add3A_85, %mul3A_86 : i32
        %add3A_88 = arith.addi %mul3A_9, %mul3A_87 : i32
        %dma_start3A_89 = tpu.memref_slice %arg4[%add3A_88] : memref<327680xi32, #tpu.memory_space<hbm>> -> memref<128xi32, #tpu.memory_space<hbm>>
        %dma_start3A_90 = tpu.memref_slice %arg4[%add3A_88] : memref<327680xi32, #tpu.memory_space<hbm>> -> memref<128xi32, #tpu.memory_space<hbm>>
        tpu.enqueue_dma source(%dma_start3A_90 : memref<128xi32, #tpu.memory_space<hbm>>) target(%arg10 : memref<128xi32, #tpu.memory_space<vmem>>) target_semaphore(%arg17 : memref<!tpu.dma_semaphore, #tpu.memory_space<semaphore_mem>>)
        %dma_start3A_91 = arith.constant 0 : i32
        %dma_start3A_92 = tpu.memref_slice %arg8[%add3A_85, %dma_start3A_91] : memref<80x128xi32, #tpu.memory_space<vmem>> -> memref<1x128xi32, #tpu.memory_space<vmem>>
        %dma_start3A_93 = tpu.memref_squeeze %dma_start3A_92 : memref<1x128xi32, #tpu.memory_space<vmem>> -> memref<128xi32, #tpu.memory_space<vmem>>
        %dma_start3A_94 = arith.constant 0 : i32
        %dma_start3A_95 = arith.constant 0 : i32
        %dma_start3A_96 = tpu.memref_slice %arg2[%dma_start3A_94, %dma_start3A_95] : memref<81920x128xf32, #tpu.memory_space<hbm>> -> memref<81920x128xf32, #tpu.memory_space<hbm>>
        tpu.enqueue_indirect_dma source(%dma_start3A_96 : memref<81920x128xf32, #tpu.memory_space<hbm>>) target(%arg12 : memref<128x128xf32, #tpu.memory_space<vmem>>) offsets(%dma_start3A_93 : memref<128xi32, #tpu.memory_space<vmem>>) semaphore(%arg15 : memref<!tpu.dma_semaphore, #tpu.memory_space<semaphore_mem>>)
      } else {
      }
      %mul3A_52 = arith.constant 128 : i32
      %mul3A_53 = arith.muli %add3A_47, %mul3A_52 : i32
      %add3A_54 = arith.addi %mul3A_9, %mul3A_53 : i32
      %dma_wait3A_55 = tpu.memref_slice %arg4[%add3A_54] : memref<327680xi32, #tpu.memory_space<hbm>> -> memref<128xi32, #tpu.memory_space<hbm>>
      %dma_wait3A_56 = tpu.memref_slice %arg4[%add3A_54] : memref<327680xi32, #tpu.memory_space<hbm>> -> memref<128xi32, #tpu.memory_space<hbm>>
      tpu.wait_dma2 semaphore(%arg16 : memref<!tpu.dma_semaphore, #tpu.memory_space<semaphore_mem>>) src(%dma_wait3A_56 : memref<128xi32, #tpu.memory_space<hbm>>) dst(%arg9 : memref<128xi32, #tpu.memory_space<vmem>>)
      %dma_wait3A_57 = arith.constant 0 : i32
      %dma_wait3A_58 = tpu.memref_slice %arg8[%add3A_47, %dma_wait3A_57] : memref<80x128xi32, #tpu.memory_space<vmem>> -> memref<1x128xi32, #tpu.memory_space<vmem>>
      %dma_wait3A_59 = tpu.memref_squeeze %dma_wait3A_58 : memref<1x128xi32, #tpu.memory_space<vmem>> -> memref<128xi32, #tpu.memory_space<vmem>>
      %dma_wait3A_60 = arith.constant 0 : i32
      %dma_wait3A_61 = arith.constant 0 : i32
      %dma_wait3A_62 = tpu.memref_slice %arg2[%dma_wait3A_60, %dma_wait3A_61] : memref<81920x128xf32, #tpu.memory_space<hbm>> -> memref<81920x128xf32, #tpu.memory_space<hbm>>
      tpu.wait_indirect_dma semaphore(%arg14 : memref<!tpu.dma_semaphore, #tpu.memory_space<semaphore_mem>>) src(%dma_wait3A_62 : memref<81920x128xf32, #tpu.memory_space<hbm>>) dst(%arg11 : memref<128x128xf32, #tpu.memory_space<vmem>>)
      "tpu.region"() ({
        %run_scoped3A = tpu.sem_alloc : memref<!tpu.dma_semaphore, #tpu.memory_space<semaphore_mem>>
        %dma_start3A_84 = arith.constant 0 : i32
        %dma_start3A_85 = arith.constant 0 : i32
        %dma_start3A_86 = tpu.memref_slice %arg13[%dma_start3A_84, %dma_start3A_85] : memref<10240x128xf32, #tpu.memory_space<vmem_shared>> -> memref<10240x128xf32, #tpu.memory_space<vmem_shared>>
        tpu.enqueue_indirect_dma source(%arg11 : memref<128x128xf32, #tpu.memory_space<vmem>>) target(%dma_start3A_86 : memref<10240x128xf32, #tpu.memory_space<vmem_shared>>) offsets(%arg9 : memref<128xi32, #tpu.memory_space<vmem>>) semaphore(%run_scoped3A : memref<!tpu.dma_semaphore, #tpu.memory_space<semaphore_mem>>) {add = true}
        %dma_wait3A_87 = arith.constant 0 : i32
        %dma_wait3A_88 = arith.constant 0 : i32
        %dma_wait3A_89 = tpu.memref_slice %arg13[%dma_wait3A_87, %dma_wait3A_88] : memref<10240x128xf32, #tpu.memory_space<vmem_shared>> -> memref<10240x128xf32, #tpu.memory_space<vmem_shared>>
        tpu.wait_indirect_dma semaphore(%run_scoped3A : memref<!tpu.dma_semaphore, #tpu.memory_space<semaphore_mem>>) src(%arg11 : memref<128x128xf32, #tpu.memory_space<vmem>>) dst(%dma_wait3A_89 : memref<10240x128xf32, #tpu.memory_space<vmem_shared>>)
        tpu.yield
      }) : () -> ()
      %add3A_63 = arith.constant 1 : i32
      %add3A_64 = arith.addi %mul3A_45, %add3A_63 : i32
      %add3A_65 = arith.constant 1 : i32
      %add3A_66 = arith.addi %add3A_64, %add3A_65 : i32
      %lt3A_67 = arith.constant 80 : i32
      %lt3A_68 = arith.cmpi slt, %add3A_66, %lt3A_67 : i32
      %convert_element_type3A_69 = arith.extui %lt3A_68 : i1 to i32
      %cond3A_70 = arith.constant 0 : i32
      %cond3A_71 = arith.cmpi ne, %convert_element_type3A_69, %cond3A_70 : i32
      scf.if %cond3A_71 {
        %add3A_84 = arith.constant 1 : i32
        %add3A_85 = arith.addi %add3A_64, %add3A_84 : i32
        %mul3A_86 = arith.constant 128 : i32
        %mul3A_87 = arith.muli %add3A_85, %mul3A_86 : i32
        %add3A_88 = arith.addi %mul3A_9, %mul3A_87 : i32
        %dma_start3A_89 = tpu.memref_slice %arg4[%add3A_88] : memref<327680xi32, #tpu.memory_space<hbm>> -> memref<128xi32, #tpu.memory_space<hbm>>
        %dma_start3A_90 = tpu.memref_slice %arg4[%add3A_88] : memref<327680xi32, #tpu.memory_space<hbm>> -> memref<128xi32, #tpu.memory_space<hbm>>
        tpu.enqueue_dma source(%dma_start3A_90 : memref<128xi32, #tpu.memory_space<hbm>>) target(%arg9 : memref<128xi32, #tpu.memory_space<vmem>>) target_semaphore(%arg16 : memref<!tpu.dma_semaphore, #tpu.memory_space<semaphore_mem>>)
        %dma_start3A_91 = arith.constant 0 : i32
        %dma_start3A_92 = tpu.memref_slice %arg8[%add3A_85, %dma_start3A_91] : memref<80x128xi32, #tpu.memory_space<vmem>> -> memref<1x128xi32, #tpu.memory_space<vmem>>
        %dma_start3A_93 = tpu.memref_squeeze %dma_start3A_92 : memref<1x128xi32, #tpu.memory_space<vmem>> -> memref<128xi32, #tpu.memory_space<vmem>>
        %dma_start3A_94 = arith.constant 0 : i32
        %dma_start3A_95 = arith.constant 0 : i32
        %dma_start3A_96 = tpu.memref_slice %arg2[%dma_start3A_94, %dma_start3A_95] : memref<81920x128xf32, #tpu.memory_space<hbm>> -> memref<81920x128xf32, #tpu.memory_space<hbm>>
        tpu.enqueue_indirect_dma source(%dma_start3A_96 : memref<81920x128xf32, #tpu.memory_space<hbm>>) target(%arg11 : memref<128x128xf32, #tpu.memory_space<vmem>>) offsets(%dma_start3A_93 : memref<128xi32, #tpu.memory_space<vmem>>) semaphore(%arg14 : memref<!tpu.dma_semaphore, #tpu.memory_space<semaphore_mem>>)
      } else {
      }
      %mul3A_72 = arith.constant 128 : i32
      %mul3A_73 = arith.muli %add3A_64, %mul3A_72 : i32
      %add3A_74 = arith.addi %mul3A_9, %mul3A_73 : i32
      %dma_wait3A_75 = tpu.memref_slice %arg4[%add3A_74] : memref<327680xi32, #tpu.memory_space<hbm>> -> memref<128xi32, #tpu.memory_space<hbm>>
      %dma_wait3A_76 = tpu.memref_slice %arg4[%add3A_74] : memref<327680xi32, #tpu.memory_space<hbm>> -> memref<128xi32, #tpu.memory_space<hbm>>
      tpu.wait_dma2 semaphore(%arg17 : memref<!tpu.dma_semaphore, #tpu.memory_space<semaphore_mem>>) src(%dma_wait3A_76 : memref<128xi32, #tpu.memory_space<hbm>>) dst(%arg10 : memref<128xi32, #tpu.memory_space<vmem>>)
      %dma_wait3A_77 = arith.constant 0 : i32
      %dma_wait3A_78 = tpu.memref_slice %arg8[%add3A_64, %dma_wait3A_77] : memref<80x128xi32, #tpu.memory_space<vmem>> -> memref<1x128xi32, #tpu.memory_space<vmem>>
      %dma_wait3A_79 = tpu.memref_squeeze %dma_wait3A_78 : memref<1x128xi32, #tpu.memory_space<vmem>> -> memref<128xi32, #tpu.memory_space<vmem>>
      %dma_wait3A_80 = arith.constant 0 : i32
      %dma_wait3A_81 = arith.constant 0 : i32
      %dma_wait3A_82 = tpu.memref_slice %arg2[%dma_wait3A_80, %dma_wait3A_81] : memref<81920x128xf32, #tpu.memory_space<hbm>> -> memref<81920x128xf32, #tpu.memory_space<hbm>>
      tpu.wait_indirect_dma semaphore(%arg15 : memref<!tpu.dma_semaphore, #tpu.memory_space<semaphore_mem>>) src(%dma_wait3A_82 : memref<81920x128xf32, #tpu.memory_space<hbm>>) dst(%arg12 : memref<128x128xf32, #tpu.memory_space<vmem>>)
      "tpu.region"() ({
        %run_scoped3A = tpu.sem_alloc : memref<!tpu.dma_semaphore, #tpu.memory_space<semaphore_mem>>
        %dma_start3A_84 = arith.constant 0 : i32
        %dma_start3A_85 = arith.constant 0 : i32
        %dma_start3A_86 = tpu.memref_slice %arg13[%dma_start3A_84, %dma_start3A_85] : memref<10240x128xf32, #tpu.memory_space<vmem_shared>> -> memref<10240x128xf32, #tpu.memory_space<vmem_shared>>
        tpu.enqueue_indirect_dma source(%arg12 : memref<128x128xf32, #tpu.memory_space<vmem>>) target(%dma_start3A_86 : memref<10240x128xf32, #tpu.memory_space<vmem_shared>>) offsets(%arg10 : memref<128xi32, #tpu.memory_space<vmem>>) semaphore(%run_scoped3A : memref<!tpu.dma_semaphore, #tpu.memory_space<semaphore_mem>>) {add = true}
        %dma_wait3A_87 = arith.constant 0 : i32
        %dma_wait3A_88 = arith.constant 0 : i32
        %dma_wait3A_89 = tpu.memref_slice %arg13[%dma_wait3A_87, %dma_wait3A_88] : memref<10240x128xf32, #tpu.memory_space<vmem_shared>> -> memref<10240x128xf32, #tpu.memory_space<vmem_shared>>
        tpu.wait_indirect_dma semaphore(%run_scoped3A : memref<!tpu.dma_semaphore, #tpu.memory_space<semaphore_mem>>) src(%arg12 : memref<128x128xf32, #tpu.memory_space<vmem>>) dst(%dma_wait3A_89 : memref<10240x128xf32, #tpu.memory_space<vmem_shared>>)
        tpu.yield
      }) : () -> ()
      %scan3A_83 = arith.constant 0 : i32
      scf.yield %scan3A_83 : i32
    }
    %scan3A_33 = arith.constant 40 : i32
    %barrier3A_34 = arith.constant 0 : index
    tpu.barrier barrier_id(%barrier3A_34)
    %mul3A_35 = arith.constant 640 : i32
    %mul3A_36 = arith.muli %arg1, %mul3A_35 : i32
    %mul3A_37 = arith.constant 10240 : i32
    %mul3A_38 = arith.muli %arg0, %mul3A_37 : i32
    %mul3A_39 = arith.constant 640 : i32
    %mul3A_40 = arith.muli %arg1, %mul3A_39 : i32
    %add3A_41 = arith.addi %mul3A_38, %mul3A_40 : i32
    "tpu.region"() ({
      %run_scoped3A = tpu.sem_alloc : memref<!tpu.dma_semaphore, #tpu.memory_space<semaphore_mem>>
      %dma_start3A_42 = arith.constant 0 : i32
      %dma_start3A_43 = tpu.memref_slice %arg7[%add3A_41, %dma_start3A_42] : memref<20480x128xf32, #tpu.memory_space<hbm>> -> memref<640x128xf32, #tpu.memory_space<hbm>>
      %dma_start3A_44 = arith.constant 0 : i32
      %dma_start3A_45 = tpu.memref_slice %arg13[%mul3A_36, %dma_start3A_44] : memref<10240x128xf32, #tpu.memory_space<vmem_shared>> -> memref<640x128xf32, #tpu.memory_space<vmem_shared>>
      tpu.enqueue_dma source(%dma_start3A_45 : memref<640x128xf32, #tpu.memory_space<vmem_shared>>) target(%dma_start3A_43 : memref<640x128xf32, #tpu.memory_space<hbm>>) target_semaphore(%run_scoped3A : memref<!tpu.dma_semaphore, #tpu.memory_space<semaphore_mem>>)
      %dma_wait3A_46 = arith.constant 0 : i32
      %dma_wait3A_47 = tpu.memref_slice %arg7[%add3A_41, %dma_wait3A_46] : memref<20480x128xf32, #tpu.memory_space<hbm>> -> memref<640x128xf32, #tpu.memory_space<hbm>>
      %dma_wait3A_48 = arith.constant 0 : i32
      %dma_wait3A_49 = tpu.memref_slice %arg13[%mul3A_36, %dma_wait3A_48] : memref<10240x128xf32, #tpu.memory_space<vmem_shared>> -> memref<640x128xf32, #tpu.memory_space<vmem_shared>>
      tpu.wait_dma2 semaphore(%run_scoped3A : memref<!tpu.dma_semaphore, #tpu.memory_space<semaphore_mem>>) src(%dma_wait3A_49 : memref<640x128xf32, #tpu.memory_space<vmem_shared>>) dst(%dma_wait3A_47 : memref<640x128xf32, #tpu.memory_space<hbm>>)
      tpu.yield
    }) : () -> ()
    return
  }
}

#map = affine_map<(d0, d1) -> (0)>
#map1 = affine_map<(d0, d1) -> (0, 0)>
module attributes {stable_mosaic.version = 14 : i64} {
  func.func @_deg(%arg0: i32, %arg1: i32, %arg2: memref<327680xi32, #tpu.memory_space<hbm>>, %arg3: memref<32x10240xf32, #tpu.memory_space<hbm>>, %arg4: memref<10240xi32, #tpu.memory_space<vmem>>, %arg5: memref<10240xf32, #tpu.memory_space<vmem>>) attributes {dimension_semantics = [#tpu.dimension_semantics<core_parallel>, #tpu.dimension_semantics<subcore_parallel>], iteration_bounds = array<i64: 2, 16>, scalar_prefetch = 0 : i64, scratch_operands = 2 : i64, tpu.core_type = #tpu.core_type<sc_vector_subcore>, window_params = [{transform_indices = #map}, {transform_indices = #map1}]} {
    %mul3A = arith.constant 2 : i32
    %mul3A_0 = arith.muli %arg1, %mul3A : i32
    %add3A = arith.addi %mul3A_0, %arg0 : i32
    %mul3A_1 = arith.constant 10240 : i32
    %mul3A_2 = arith.muli %add3A, %mul3A_1 : i32
    "tpu.region"() ({
      %run_scoped3A = tpu.sem_alloc : memref<!tpu.dma_semaphore, #tpu.memory_space<semaphore_mem>>
      %dma_start3A = tpu.memref_slice %arg2[%mul3A_2] : memref<327680xi32, #tpu.memory_space<hbm>> -> memref<10240xi32, #tpu.memory_space<hbm>>
      %dma_start3A_19 = tpu.memref_slice %arg2[%mul3A_2] : memref<327680xi32, #tpu.memory_space<hbm>> -> memref<10240xi32, #tpu.memory_space<hbm>>
      tpu.enqueue_dma source(%dma_start3A_19 : memref<10240xi32, #tpu.memory_space<hbm>>) target(%arg4 : memref<10240xi32, #tpu.memory_space<vmem>>) target_semaphore(%run_scoped3A : memref<!tpu.dma_semaphore, #tpu.memory_space<semaphore_mem>>)
      %dma_wait3A = tpu.memref_slice %arg2[%mul3A_2] : memref<327680xi32, #tpu.memory_space<hbm>> -> memref<10240xi32, #tpu.memory_space<hbm>>
      %dma_wait3A_20 = tpu.memref_slice %arg2[%mul3A_2] : memref<327680xi32, #tpu.memory_space<hbm>> -> memref<10240xi32, #tpu.memory_space<hbm>>
      tpu.wait_dma2 semaphore(%run_scoped3A : memref<!tpu.dma_semaphore, #tpu.memory_space<semaphore_mem>>) src(%dma_wait3A_20 : memref<10240xi32, #tpu.memory_space<hbm>>) dst(%arg4 : memref<10240xi32, #tpu.memory_space<vmem>>)
      tpu.yield
    }) : () -> ()
    %broadcast_in_dim3A = arith.constant 0.000000e+00 : f32
    %broadcast_in_dim3A_3 = vector.broadcast %broadcast_in_dim3A : f32 to vector<16xf32>
    %scan3A = arith.constant 0 : i32
    %scan3A_4 = arith.constant 0 : i32
    %scan3A_5 = arith.constant 640 : i32
    %scan3A_6 = arith.addi %scan3A_4, %scan3A_5 : i32
    %scan3A_7 = arith.constant 1 : i32
    %scan3A_8 = scf.for %scan3A_19 = %scan3A_4 to %scan3A_6 step %scan3A_7 iter_args(%scan3A_20 = %scan3A) -> (i32)  : i32 {
      %mul3A_21 = arith.constant 16 : i32
      %mul3A_22 = arith.muli %scan3A_19, %mul3A_21 : i32
      %multiple_of3A = tpu.assume_multiple %mul3A_22, 16 : i32
      %swap3A = arith.index_cast %multiple_of3A : i32 to index
      %swap3A_23 = tpu.vector_load %arg5[%swap3A] {strides = array<i32>} : memref<10240xf32, #tpu.memory_space<vmem>>, vector<16xf32>,
      tpu.vector_store %arg5[%swap3A], %broadcast_in_dim3A_3 {strides = array<i32>} : memref<10240xf32, #tpu.memory_space<vmem>>, vector<16xf32>,
      %scan3A_24 = arith.constant 0 : i32
      scf.yield %scan3A_24 : i32
    }
    %scan3A_9 = arith.constant 640 : i32
    %broadcast_in_dim3A_10 = arith.constant 1.000000e+00 : f32
    %broadcast_in_dim3A_11 = vector.broadcast %broadcast_in_dim3A_10 : f32 to vector<16xf32>
    %scan3A_12 = arith.constant 0 : i32
    %scan3A_13 = arith.constant 0 : i32
    %scan3A_14 = arith.constant 640 : i32
    %scan3A_15 = arith.addi %scan3A_13, %scan3A_14 : i32
    %scan3A_16 = arith.constant 1 : i32
    %scan3A_17 = scf.for %scan3A_19 = %scan3A_13 to %scan3A_15 step %scan3A_16 iter_args(%scan3A_20 = %scan3A_12) -> (i32)  : i32 {
      %mul3A_21 = arith.constant 16 : i32
      %mul3A_22 = arith.muli %scan3A_19, %mul3A_21 : i32
      %multiple_of3A = tpu.assume_multiple %mul3A_22, 16 : i32
      %get3A = arith.index_cast %multiple_of3A : i32 to index
      %get3A_23 = tpu.vector_load %arg4[%get3A] {strides = array<i32>} : memref<10240xi32, #tpu.memory_space<vmem>>, vector<16xi32>,
      tpu.vector_store_idx %arg5[%get3A_23], %broadcast_in_dim3A_11 {add = true} : memref<10240xf32, #tpu.memory_space<vmem>>[vector<16xi32>], vector<16xf32>,
      %scan3A_24 = arith.constant 0 : i32
      scf.yield %scan3A_24 : i32
    }
    %scan3A_18 = arith.constant 640 : i32
    "tpu.region"() ({
      %run_scoped3A = tpu.sem_alloc : memref<!tpu.dma_semaphore, #tpu.memory_space<semaphore_mem>>
      %dma_start3A = arith.constant 0 : i32
      %dma_start3A_19 = tpu.memref_slice %arg3[%add3A, %dma_start3A] : memref<32x10240xf32, #tpu.memory_space<hbm>> -> memref<1x10240xf32, #tpu.memory_space<hbm>>
      %dma_start3A_20 = tpu.memref_squeeze %dma_start3A_19 : memref<1x10240xf32, #tpu.memory_space<hbm>> -> memref<10240xf32, #tpu.memory_space<hbm>>
      %dma_start3A_21 = arith.constant 0 : i32
      %dma_start3A_22 = tpu.memref_slice %arg3[%add3A, %dma_start3A_21] : memref<32x10240xf32, #tpu.memory_space<hbm>> -> memref<1x10240xf32, #tpu.memory_space<hbm>>
      %dma_start3A_23 = tpu.memref_squeeze %dma_start3A_22 : memref<1x10240xf32, #tpu.memory_space<hbm>> -> memref<10240xf32, #tpu.memory_space<hbm>>
      tpu.enqueue_dma source(%arg5 : memref<10240xf32, #tpu.memory_space<vmem>>) target(%dma_start3A_23 : memref<10240xf32, #tpu.memory_space<hbm>>) target_semaphore(%run_scoped3A : memref<!tpu.dma_semaphore, #tpu.memory_space<semaphore_mem>>)
      %dma_wait3A = arith.constant 0 : i32
      %dma_wait3A_24 = tpu.memref_slice %arg3[%add3A, %dma_wait3A] : memref<32x10240xf32, #tpu.memory_space<hbm>> -> memref<1x10240xf32, #tpu.memory_space<hbm>>
      %dma_wait3A_25 = tpu.memref_squeeze %dma_wait3A_24 : memref<1x10240xf32, #tpu.memory_space<hbm>> -> memref<10240xf32, #tpu.memory_space<hbm>>
      %dma_wait3A_26 = arith.constant 0 : i32
      %dma_wait3A_27 = tpu.memref_slice %arg3[%add3A, %dma_wait3A_26] : memref<32x10240xf32, #tpu.memory_space<hbm>> -> memref<1x10240xf32, #tpu.memory_space<hbm>>
      %dma_wait3A_28 = tpu.memref_squeeze %dma_wait3A_27 : memref<1x10240xf32, #tpu.memory_space<hbm>> -> memref<10240xf32, #tpu.memory_space<hbm>>
      tpu.wait_dma2 semaphore(%run_scoped3A : memref<!tpu.dma_semaphore, #tpu.memory_space<semaphore_mem>>) src(%arg5 : memref<10240xf32, #tpu.memory_space<vmem>>) dst(%dma_wait3A_28 : memref<10240xf32, #tpu.memory_space<hbm>>)
      tpu.yield
    }) : () -> ()
    return
  }
}

module attributes {stable_mosaic.version = 14 : i64} {
  func.func @_transform_body(%arg0: i32, %arg1: i32, %arg2: memref<10240x128xf32, #tpu.memory_space<vmem>>, %arg3: memref<1x128x128xf32, #tpu.memory_space<vmem>>, %arg4: memref<1x10240x128xf32, #tpu.memory_space<vmem>>) attributes {dimension_semantics = [#tpu.dimension_semantics<arbitrary>, #tpu.dimension_semantics<arbitrary>], iteration_bounds = array<i64: 1, 8>, scalar_prefetch = 0 : i64, scratch_operands = 0 : i64, tpu.core_type = #tpu.core_type<tc>, window_params = [{transform_indices = @transform_0, window_bounds = array<i64: 10240, 128>}, {transform_indices = @transform_1, window_bounds = array<i64: 1, 128, 128>}, {transform_indices = @transform_2, window_bounds = array<i64: 1, 10240, 128>}]} {
    %get3A = arith.constant 0 : index
    %get3A_0 = arith.constant 0 : index
    %get3A_1 = vector.load %arg2[%get3A, %get3A_0] : memref<10240x128xf32, #tpu.memory_space<vmem>>, vector<10240x128xf32>
    %get3A_2 = arith.constant 0 : index
    %get3A_3 = arith.constant 0 : index
    %get3A_4 = arith.constant 0 : index
    %get3A_5 = vector.load %arg3[%get3A_2, %get3A_3, %get3A_4] : memref<1x128x128xf32, #tpu.memory_space<vmem>>, vector<1x128x128xf32>
    %get3A_6 = vector.shape_cast %get3A_5 : vector<1x128x128xf32> to vector<128x128xf32>
    %dot_general3A = arith.constant dense<0.000000e+00> : vector<10240x128xf32>
    %dot_general3A_7 = tpu.matmul %get3A_1, %get3A_6, %dot_general3A {dimension_numbers = #tpu.dot_dimension_numbers<[1], [0], [0], [1], [0, 0, 1, 1], [], []>, transpose_lhs_hint = false} : vector<10240x128xf32>, vector<128x128xf32>, vector<10240x128xf32> -> vector<10240x128xf32>
    %swap3A = arith.constant 0 : index
    %swap3A_8 = arith.constant 0 : index
    %swap3A_9 = arith.constant 0 : index
    %swap3A_10 = vector.load %arg4[%swap3A, %swap3A_8, %swap3A_9] : memref<1x10240x128xf32, #tpu.memory_space<vmem>>, vector<1x10240x128xf32>
    %swap3A_11 = vector.shape_cast %swap3A_10 : vector<1x10240x128xf32> to vector<10240x128xf32>
    %swap3A_12 = vector.shape_cast %dot_general3A_7 : vector<10240x128xf32> to vector<1x10240x128xf32>
    tpu.vector_store %arg4[%swap3A, %swap3A_8, %swap3A_9], %swap3A_12 {strides = array<i32>} : memref<1x10240x128xf32, #tpu.memory_space<vmem>>, vector<1x10240x128xf32>,
    return
  }
  func.func @transform_0(%arg0: i32, %arg1: i32) -> (i32, i32) {
    %c0_i32 = arith.constant 0 : i32
    %c0_i32_0 = arith.constant 0 : i32
    return %arg0, %c0_i32 : i32, i32
  }
  func.func @transform_1(%arg0: i32, %arg1: i32) -> (i32, i32, i32) {
    %c0_i32 = arith.constant 0 : i32
    %c0_i32_0 = arith.constant 0 : i32
    %c0_i32_1 = arith.constant 0 : i32
    return %arg1, %c0_i32, %c0_i32_0 : i32, i32, i32
  }
  func.func @transform_2(%arg0: i32, %arg1: i32) -> (i32, i32, i32) {
    %c0_i32 = arith.constant 0 : i32
    %c0_i32_0 = arith.constant 0 : i32
    return %arg1, %arg0, %c0_i32 : i32, i32, i32
  }
}

module attributes {stable_mosaic.version = 14 : i64} {
  func.func @_combine_transform_body(%arg0: i32, %arg1: memref<2x10240x128xf32, #tpu.memory_space<vmem>>, %arg2: memref<10240x128xf32, #tpu.memory_space<vmem>>, %arg3: memref<128x128xf32, #tpu.memory_space<vmem>>, %arg4: memref<32x10240xf32, #tpu.memory_space<vmem>>, %arg5: memref<1x128x128xf32, #tpu.memory_space<vmem>>, %arg6: memref<1x10240x128xf32, #tpu.memory_space<vmem>>, %arg7: memref<10240x128xf32, #tpu.memory_space<vmem>>) attributes {dimension_semantics = [#tpu.dimension_semantics<arbitrary>], iteration_bounds = array<i64: 8>, scalar_prefetch = 0 : i64, scratch_operands = 0 : i64, tpu.core_type = #tpu.core_type<tc>, window_params = [{pipeline_mode = #tpu.pipeline_mode<synchronous>, transform_indices = @transform_0, window_bounds = array<i64: 2, 10240, 128>}, {pipeline_mode = #tpu.pipeline_mode<synchronous>, transform_indices = @transform_1, window_bounds = array<i64: 10240, 128>}, {pipeline_mode = #tpu.pipeline_mode<synchronous>, transform_indices = @transform_2, window_bounds = array<i64: 128, 128>}, {pipeline_mode = #tpu.pipeline_mode<synchronous>, transform_indices = @transform_3, window_bounds = array<i64: 32, 10240>}, {transform_indices = @transform_4, window_bounds = array<i64: 1, 128, 128>}, {transform_indices = @transform_5, window_bounds = array<i64: 1, 10240, 128>}, {pipeline_mode = #tpu.pipeline_mode<synchronous>, transform_indices = @transform_6, window_bounds = array<i64: 10240, 128>}]} {
    %eq3A = arith.constant 0 : i32
    %eq3A_0 = arith.cmpi eq, %arg0, %eq3A : i32
    %convert_element_type3A = arith.extui %eq3A_0 : i1 to i32
    %cond3A = arith.constant 0 : i32
    %cond3A_1 = arith.cmpi ne, %convert_element_type3A, %cond3A : i32
    scf.if %cond3A_1 {
      %get3A_15 = arith.constant 0 : index
      %get3A_16 = arith.constant 0 : index
      %get3A_17 = vector.load %arg4[%get3A_15, %get3A_16] : memref<32x10240xf32, #tpu.memory_space<vmem>>, vector<32x10240xf32>
      %reduce_sum3A = arith.constant dense<0.000000e+00> : vector<10240xf32>
      %reduce_sum3A_18 = vector.multi_reduction <add>, %get3A_17, %reduce_sum3A [0] : vector<32x10240xf32> to vector<10240xf32>
      %eq3A_19 = arith.constant 0.000000e+00 : f32
      %eq3A_20 = vector.broadcast %eq3A_19 : f32 to vector<10240xf32>
      %eq3A_21 = arith.cmpf oeq, %reduce_sum3A_18, %eq3A_20 : vector<10240xf32>
      %jit3A = arith.constant 1.000000e+00 : f32
      %broadcast_in_dim3A = vector.broadcast %jit3A : f32 to vector<10240xf32>
      %select_n3A = arith.select %eq3A_21, %broadcast_in_dim3A, %reduce_sum3A_18 : vector<10240xi1>, vector<10240xf32>
      %div3A = arith.constant 1.000000e+00 : f32
      %div3A_22 = vector.broadcast %div3A : f32 to vector<10240xf32>
      %div3A_23 = arith.divf %div3A_22, %select_n3A : vector<10240xf32>
      %get3A_24 = arith.constant 0 : index
      %get3A_25 = arith.constant 0 : index
      %get3A_26 = arith.constant 0 : index
      %get3A_27 = vector.load %arg1[%get3A_24, %get3A_25, %get3A_26] : memref<2x10240x128xf32, #tpu.memory_space<vmem>>, vector<1x10240x128xf32>
      %get3A_28 = vector.shape_cast %get3A_27 : vector<1x10240x128xf32> to vector<10240x128xf32>
      %get3A_29 = arith.constant 1 : index
      %get3A_30 = arith.constant 0 : index
      %get3A_31 = arith.constant 0 : index
      %get3A_32 = vector.load %arg1[%get3A_29, %get3A_30, %get3A_31] : memref<2x10240x128xf32, #tpu.memory_space<vmem>>, vector<1x10240x128xf32>
      %get3A_33 = vector.shape_cast %get3A_32 : vector<1x10240x128xf32> to vector<10240x128xf32>
      %add3A = arith.addf %get3A_28, %get3A_33 : vector<10240x128xf32>
      %get3A_34 = arith.constant 0 : index
      %get3A_35 = arith.constant 0 : index
      %get3A_36 = vector.load %arg2[%get3A_34, %get3A_35] : memref<10240x128xf32, #tpu.memory_space<vmem>>, vector<10240x128xf32>
      %get3A_37 = arith.constant 0 : index
      %get3A_38 = arith.constant 0 : index
      %get3A_39 = vector.load %arg3[%get3A_37, %get3A_38] : memref<128x128xf32, #tpu.memory_space<vmem>>, vector<128x128xf32>
      %dot_general3A_40 = arith.constant dense<0.000000e+00> : vector<10240x128xf32>
      %dot_general3A_41 = tpu.matmul %get3A_36, %get3A_39, %dot_general3A_40 {dimension_numbers = #tpu.dot_dimension_numbers<[1], [0], [0], [1], [0, 0, 1, 1], [], []>, transpose_lhs_hint = false} : vector<10240x128xf32>, vector<128x128xf32>, vector<10240x128xf32> -> vector<10240x128xf32>
      %broadcast_in_dim3A_42 = vector.shape_cast %div3A_23 : vector<10240xf32> to vector<10240x1xf32>
      %mul3A = vector.broadcast %broadcast_in_dim3A_42 : vector<10240x1xf32> to vector<10240x128xf32>
      %mul3A_43 = arith.mulf %add3A, %mul3A : vector<10240x128xf32>
      %add3A_44 = arith.addf %mul3A_43, %dot_general3A_41 : vector<10240x128xf32>
      %max3A = arith.constant 0.000000e+00 : f32
      %max3A_45 = vector.broadcast %max3A : f32 to vector<10240x128xf32>
      %max3A_46 = arith.maximumf %add3A_44, %max3A_45 : vector<10240x128xf32>
      %swap3A_47 = arith.constant 0 : index
      %swap3A_48 = arith.constant 0 : index
      %swap3A_49 = vector.load %arg7[%swap3A_47, %swap3A_48] : memref<10240x128xf32, #tpu.memory_space<vmem>>, vector<10240x128xf32>
      tpu.vector_store %arg7[%swap3A_47, %swap3A_48], %max3A_46 {strides = array<i32>} : memref<10240x128xf32, #tpu.memory_space<vmem>>, vector<10240x128xf32>,
    } else {
    }
    %get3A = arith.constant 0 : index
    %get3A_2 = arith.constant 0 : index
    %get3A_3 = vector.load %arg7[%get3A, %get3A_2] : memref<10240x128xf32, #tpu.memory_space<vmem>>, vector<10240x128xf32>
    %get3A_4 = arith.constant 0 : index
    %get3A_5 = arith.constant 0 : index
    %get3A_6 = arith.constant 0 : index
    %get3A_7 = vector.load %arg5[%get3A_4, %get3A_5, %get3A_6] : memref<1x128x128xf32, #tpu.memory_space<vmem>>, vector<1x128x128xf32>
    %get3A_8 = vector.shape_cast %get3A_7 : vector<1x128x128xf32> to vector<128x128xf32>
    %dot_general3A = arith.constant dense<0.000000e+00> : vector<10240x128xf32>
    %dot_general3A_9 = tpu.matmul %get3A_3, %get3A_8, %dot_general3A {dimension_numbers = #tpu.dot_dimension_numbers<[1], [0], [0], [1], [0, 0, 1, 1], [], []>, transpose_lhs_hint = false} : vector<10240x128xf32>, vector<128x128xf32>, vector<10240x128xf32> -> vector<10240x128xf32>
    %swap3A = arith.constant 0 : index
    %swap3A_10 = arith.constant 0 : index
    %swap3A_11 = arith.constant 0 : index
    %swap3A_12 = vector.load %arg6[%swap3A, %swap3A_10, %swap3A_11] : memref<1x10240x128xf32, #tpu.memory_space<vmem>>, vector<1x10240x128xf32>
    %swap3A_13 = vector.shape_cast %swap3A_12 : vector<1x10240x128xf32> to vector<10240x128xf32>
    %swap3A_14 = vector.shape_cast %dot_general3A_9 : vector<10240x128xf32> to vector<1x10240x128xf32>
    tpu.vector_store %arg6[%swap3A, %swap3A_10, %swap3A_11], %swap3A_14 {strides = array<i32>} : memref<1x10240x128xf32, #tpu.memory_space<vmem>>, vector<1x10240x128xf32>,
    return
  }
  func.func @transform_0(%arg0: i32) -> (i32, i32, i32) {
    %c0_i32 = arith.constant 0 : i32
    %c0_i32_0 = arith.constant 0 : i32
    %c0_i32_1 = arith.constant 0 : i32
    %c0_i32_2 = arith.constant 0 : i32
    return %c0_i32, %c0_i32_0, %c0_i32_1 : i32, i32, i32
  }
  func.func @transform_1(%arg0: i32) -> (i32, i32) {
    %c0_i32 = arith.constant 0 : i32
    %c0_i32_0 = arith.constant 0 : i32
    %c0_i32_1 = arith.constant 0 : i32
    return %c0_i32, %c0_i32_0 : i32, i32
  }
  func.func @transform_2(%arg0: i32) -> (i32, i32) {
    %c0_i32 = arith.constant 0 : i32
    %c0_i32_0 = arith.constant 0 : i32
    %c0_i32_1 = arith.constant 0 : i32
    return %c0_i32, %c0_i32_0 : i32, i32
  }
  func.func @transform_3(%arg0: i32) -> (i32, i32) {
    %c0_i32 = arith.constant 0 : i32
    %c0_i32_0 = arith.constant 0 : i32
    %c0_i32_1 = arith.constant 0 : i32
    return %c0_i32, %c0_i32_0 : i32, i32
  }
  func.func @transform_4(%arg0: i32) -> (i32, i32, i32) {
    %c0_i32 = arith.constant 0 : i32
    %c0_i32_0 = arith.constant 0 : i32
    %c0_i32_1 = arith.constant 0 : i32
    return %arg0, %c0_i32, %c0_i32_0 : i32, i32, i32
  }
  func.func @transform_5(%arg0: i32) -> (i32, i32, i32) {
    %c0_i32 = arith.constant 0 : i32
    %c0_i32_0 = arith.constant 0 : i32
    %c0_i32_1 = arith.constant 0 : i32
    return %arg0, %c0_i32, %c0_i32_0 : i32, i32, i32
  }
  func.func @transform_6(%arg0: i32) -> (i32, i32) {
    %c0_i32 = arith.constant 0 : i32
    %c0_i32_0 = arith.constant 0 : i32
    %c0_i32_1 = arith.constant 0 : i32
    return %c0_i32, %c0_i32_0 : i32, i32
  }
}

module attributes {stable_mosaic.version = 14 : i64} {
  func.func @_tail_body(%arg0: i32, %arg1: memref<2x5120x128xf32, #tpu.memory_space<vmem>>, %arg2: memref<5120x128xf32, #tpu.memory_space<vmem>>, %arg3: memref<128x128xf32, #tpu.memory_space<vmem>>, %arg4: memref<32x5120xf32, #tpu.memory_space<vmem>>, %arg5: memref<1x5120xi32, #tpu.memory_space<vmem>>, %arg6: memref<100x1xi32, #tpu.memory_space<vmem>>, %arg7: memref<100x1xi32, #tpu.memory_space<vmem>>, %arg8: memref<100x1xi32, #tpu.memory_space<vmem>>, %arg9: memref<8x32xf32, #tpu.memory_space<vmem>>, %arg10: memref<1x32xf32, #tpu.memory_space<vmem>>, %arg11: memref<128x128xf32, #tpu.memory_space<vmem>>, %arg12: memref<1x1xf32, #tpu.memory_space<vmem>>, %arg13: memref<100x1xf32, #tpu.memory_space<vmem>>, %arg14: memref<100x128xf32, #tpu.memory_space<vmem>>, %arg15: memref<100x128xf32, #tpu.memory_space<vmem>>, %arg16: memref<100x128xf32, #tpu.memory_space<vmem>>, %arg17: memref<100x1xf32, #tpu.memory_space<vmem>>) attributes {dimension_semantics = [#tpu.dimension_semantics<arbitrary>], iteration_bounds = array<i64: 2>, scalar_prefetch = 0 : i64, scratch_operands = 4 : i64, tpu.core_type = #tpu.core_type<tc>, window_params = [{transform_indices = @transform_0, window_bounds = array<i64: 2, 5120, 128>}, {transform_indices = @transform_1, window_bounds = array<i64: 5120, 128>}, {pipeline_mode = #tpu.pipeline_mode<synchronous>, transform_indices = @transform_2, window_bounds = array<i64: 128, 128>}, {transform_indices = @transform_3, window_bounds = array<i64: 32, 5120>}, {transform_indices = @transform_4, window_bounds = array<i64: 1, 5120>}, {pipeline_mode = #tpu.pipeline_mode<synchronous>, transform_indices = @transform_5, window_bounds = array<i64: 100, 1>}, {pipeline_mode = #tpu.pipeline_mode<synchronous>, transform_indices = @transform_6, window_bounds = array<i64: 100, 1>}, {pipeline_mode = #tpu.pipeline_mode<synchronous>, transform_indices = @transform_7, window_bounds = array<i64: 100, 1>}, {pipeline_mode = #tpu.pipeline_mode<synchronous>, transform_indices = @transform_8, window_bounds = array<i64: 8, 32>}, {pipeline_mode = #tpu.pipeline_mode<synchronous>, transform_indices = @transform_9, window_bounds = array<i64: 1, 32>}, {pipeline_mode = #tpu.pipeline_mode<synchronous>, transform_indices = @transform_10, window_bounds = array<i64: 128, 128>}, {pipeline_mode = #tpu.pipeline_mode<synchronous>, transform_indices = @transform_11, window_bounds = array<i64: 1, 1>}, {pipeline_mode = #tpu.pipeline_mode<synchronous>, transform_indices = @transform_12, window_bounds = array<i64: 100, 1>}]} {
    %get3A = arith.constant 0 : index
    %get3A_0 = arith.constant 0 : index
    %get3A_1 = vector.load %arg4[%get3A, %get3A_0] : memref<32x5120xf32, #tpu.memory_space<vmem>>, vector<32x5120xf32>
    %reduce_sum3A = arith.constant dense<0.000000e+00> : vector<5120xf32>
    %reduce_sum3A_2 = vector.multi_reduction <add>, %get3A_1, %reduce_sum3A [0] : vector<32x5120xf32> to vector<5120xf32>
    %eq3A = arith.constant 0.000000e+00 : f32
    %eq3A_3 = vector.broadcast %eq3A : f32 to vector<5120xf32>
    %eq3A_4 = arith.cmpf oeq, %reduce_sum3A_2, %eq3A_3 : vector<5120xf32>
    %jit3A = arith.constant 1.000000e+00 : f32
    %broadcast_in_dim3A = vector.broadcast %jit3A : f32 to vector<5120xf32>
    %select_n3A = arith.select %eq3A_4, %broadcast_in_dim3A, %reduce_sum3A_2 : vector<5120xi1>, vector<5120xf32>
    %div3A = arith.constant 1.000000e+00 : f32
    %div3A_5 = vector.broadcast %div3A : f32 to vector<5120xf32>
    %div3A_6 = arith.divf %div3A_5, %select_n3A : vector<5120xf32>
    %get3A_7 = arith.constant 0 : index
    %get3A_8 = arith.constant 0 : index
    %get3A_9 = arith.constant 0 : index
    %get3A_10 = vector.load %arg1[%get3A_7, %get3A_8, %get3A_9] : memref<2x5120x128xf32, #tpu.memory_space<vmem>>, vector<1x5120x128xf32>
    %get3A_11 = vector.shape_cast %get3A_10 : vector<1x5120x128xf32> to vector<5120x128xf32>
    %get3A_12 = arith.constant 1 : index
    %get3A_13 = arith.constant 0 : index
    %get3A_14 = arith.constant 0 : index
    %get3A_15 = vector.load %arg1[%get3A_12, %get3A_13, %get3A_14] : memref<2x5120x128xf32, #tpu.memory_space<vmem>>, vector<1x5120x128xf32>
    %get3A_16 = vector.shape_cast %get3A_15 : vector<1x5120x128xf32> to vector<5120x128xf32>
    %add3A = arith.addf %get3A_11, %get3A_16 : vector<5120x128xf32>
    %get3A_17 = arith.constant 0 : index
    %get3A_18 = arith.constant 0 : index
    %get3A_19 = vector.load %arg2[%get3A_17, %get3A_18] : memref<5120x128xf32, #tpu.memory_space<vmem>>, vector<5120x128xf32>
    %get3A_20 = arith.constant 0 : index
    %get3A_21 = arith.constant 0 : index
    %get3A_22 = vector.load %arg3[%get3A_20, %get3A_21] : memref<128x128xf32, #tpu.memory_space<vmem>>, vector<128x128xf32>
    %dot_general3A = arith.constant dense<0.000000e+00> : vector<5120x128xf32>
    %dot_general3A_23 = tpu.matmul %get3A_19, %get3A_22, %dot_general3A {dimension_numbers = #tpu.dot_dimension_numbers<[1], [0], [0], [1], [0, 0, 1, 1], [], []>, transpose_lhs_hint = false} : vector<5120x128xf32>, vector<128x128xf32>, vector<5120x128xf32> -> vector<5120x128xf32>
    %broadcast_in_dim3A_24 = vector.shape_cast %div3A_6 : vector<5120xf32> to vector<5120x1xf32>
    %mul3A = vector.broadcast %broadcast_in_dim3A_24 : vector<5120x1xf32> to vector<5120x128xf32>
    %mul3A_25 = arith.mulf %add3A, %mul3A : vector<5120x128xf32>
    %add3A_26 = arith.addf %mul3A_25, %dot_general3A_23 : vector<5120x128xf32>
    %max3A = arith.constant 0.000000e+00 : f32
    %max3A_27 = vector.broadcast %max3A : f32 to vector<5120x128xf32>
    %max3A_28 = arith.maximumf %add3A_26, %max3A_27 : vector<5120x128xf32>
    %get3A_29 = arith.constant 0 : index
    %get3A_30 = arith.constant 0 : index
    %get3A_31 = vector.load %arg11[%get3A_29, %get3A_30] : memref<128x128xf32, #tpu.memory_space<vmem>>, vector<128x128xf32>
    %dot_general3A_32 = arith.constant dense<0.000000e+00> : vector<5120x128xf32>
    %dot_general3A_33 = tpu.matmul %max3A_28, %get3A_31, %dot_general3A_32 {dimension_numbers = #tpu.dot_dimension_numbers<[1], [0], [0], [1], [0, 0, 1, 1], [], []>, transpose_lhs_hint = false} : vector<5120x128xf32>, vector<128x128xf32>, vector<5120x128xf32> -> vector<5120x128xf32>
    %iota3A = tpu.iota {dimensions = array<i32: 1>} : vector<100x5120xi32>
    %mul3A_34 = arith.constant 5120 : i32
    %mul3A_35 = arith.muli %arg0, %mul3A_34 : i32
    %add3A_36 = vector.broadcast %mul3A_35 : i32 to vector<100x5120xi32>
    %add3A_37 = arith.addi %iota3A, %add3A_36 : vector<100x5120xi32>
    %iota3A_38 = tpu.iota {dimensions = array<i32: 0>} : vector<100x5120xi32>
    %get3A_39 = arith.constant 0 : index
    %get3A_40 = arith.constant 0 : index
    %get3A_41 = vector.load %arg5[%get3A_39, %get3A_40] : memref<1x5120xi32, #tpu.memory_space<vmem>>, vector<1x5120xi32>
    %eq3A_42 = vector.broadcast %get3A_41 : vector<1x5120xi32> to vector<100x5120xi32>
    %eq3A_43 = arith.cmpi eq, %eq3A_42, %iota3A_38 : vector<100x5120xi32>
    %convert_element_type3A = arith.extui %eq3A_43 : vector<100x5120xi1> to vector<100x5120xi32>
    %convert_element_type3A_44 = arith.sitofp %convert_element_type3A : vector<100x5120xi32> to vector<100x5120xf32>
    %get3A_45 = arith.constant 0 : index
    %get3A_46 = arith.constant 0 : index
    %get3A_47 = vector.load %arg6[%get3A_45, %get3A_46] : memref<100x1xi32, #tpu.memory_space<vmem>>, vector<100x1xi32>
    %eq3A_48 = vector.broadcast %get3A_47 : vector<100x1xi32> to vector<100x5120xi32>
    %eq3A_49 = arith.cmpi eq, %eq3A_48, %add3A_37 : vector<100x5120xi32>
    %convert_element_type3A_50 = arith.extui %eq3A_49 : vector<100x5120xi1> to vector<100x5120xi32>
    %convert_element_type3A_51 = arith.sitofp %convert_element_type3A_50 : vector<100x5120xi32> to vector<100x5120xf32>
    %get3A_52 = arith.constant 0 : index
    %get3A_53 = arith.constant 0 : index
    %get3A_54 = vector.load %arg7[%get3A_52, %get3A_53] : memref<100x1xi32, #tpu.memory_space<vmem>>, vector<100x1xi32>
    %eq3A_55 = vector.broadcast %get3A_54 : vector<100x1xi32> to vector<100x5120xi32>
    %eq3A_56 = arith.cmpi eq, %eq3A_55, %add3A_37 : vector<100x5120xi32>
    %convert_element_type3A_57 = arith.extui %eq3A_56 : vector<100x5120xi1> to vector<100x5120xi32>
    %convert_element_type3A_58 = arith.sitofp %convert_element_type3A_57 : vector<100x5120xi32> to vector<100x5120xf32>
    %dot_general3A_59 = arith.constant dense<0.000000e+00> : vector<100x128xf32>
    %dot_general3A_60 = tpu.matmul %convert_element_type3A_44, %dot_general3A_33, %dot_general3A_59 {dimension_numbers = #tpu.dot_dimension_numbers<[1], [0], [0], [1], [0, 0, 1, 1], [], []>, transpose_lhs_hint = false} : vector<100x5120xf32>, vector<5120x128xf32>, vector<100x128xf32> -> vector<100x128xf32>
    %dot_general3A_61 = arith.constant dense<0.000000e+00> : vector<100x128xf32>
    %dot_general3A_62 = tpu.matmul %convert_element_type3A_51, %dot_general3A_33, %dot_general3A_61 {dimension_numbers = #tpu.dot_dimension_numbers<[1], [0], [0], [1], [0, 0, 1, 1], [], []>, transpose_lhs_hint = false} : vector<100x5120xf32>, vector<5120x128xf32>, vector<100x128xf32> -> vector<100x128xf32>
    %dot_general3A_63 = arith.constant dense<0.000000e+00> : vector<100x128xf32>
    %dot_general3A_64 = tpu.matmul %convert_element_type3A_58, %dot_general3A_33, %dot_general3A_63 {dimension_numbers = #tpu.dot_dimension_numbers<[1], [0], [0], [1], [0, 0, 1, 1], [], []>, transpose_lhs_hint = false} : vector<100x5120xf32>, vector<5120x128xf32>, vector<100x128xf32> -> vector<100x128xf32>
    %reduce_sum3A_65 = arith.constant dense<0.000000e+00> : vector<100xf32>
    %reduce_sum3A_66 = vector.multi_reduction <add>, %convert_element_type3A_44, %reduce_sum3A_65 [1] : vector<100x5120xf32> to vector<100xf32>
    %broadcast_in_dim3A_67 = vector.shape_cast %reduce_sum3A_66 : vector<100xf32> to vector<100x1xf32>
    %eq3A_68 = arith.constant 0 : i32
    %eq3A_69 = arith.cmpi eq, %arg0, %eq3A_68 : i32
    %convert_element_type3A_70 = arith.extui %eq3A_69 : i1 to i32
    %cond3A = arith.constant 0 : i32
    %cond3A_71 = arith.cmpi ne, %convert_element_type3A_70, %cond3A : i32
    scf.if %cond3A_71 {
      %swap3A = arith.constant 0 : index
      %swap3A_81 = arith.constant 0 : index
      %swap3A_82 = vector.load %arg14[%swap3A, %swap3A_81] : memref<100x128xf32, #tpu.memory_space<vmem>>, vector<100x128xf32>
      tpu.vector_store %arg14[%swap3A, %swap3A_81], %dot_general3A_60 {strides = array<i32>} : memref<100x128xf32, #tpu.memory_space<vmem>>, vector<100x128xf32>,
      %swap3A_83 = arith.constant 0 : index
      %swap3A_84 = arith.constant 0 : index
      %swap3A_85 = vector.load %arg15[%swap3A_83, %swap3A_84] : memref<100x128xf32, #tpu.memory_space<vmem>>, vector<100x128xf32>
      tpu.vector_store %arg15[%swap3A_83, %swap3A_84], %dot_general3A_62 {strides = array<i32>} : memref<100x128xf32, #tpu.memory_space<vmem>>, vector<100x128xf32>,
      %swap3A_86 = arith.constant 0 : index
      %swap3A_87 = arith.constant 0 : index
      %swap3A_88 = vector.load %arg16[%swap3A_86, %swap3A_87] : memref<100x128xf32, #tpu.memory_space<vmem>>, vector<100x128xf32>
      tpu.vector_store %arg16[%swap3A_86, %swap3A_87], %dot_general3A_64 {strides = array<i32>} : memref<100x128xf32, #tpu.memory_space<vmem>>, vector<100x128xf32>,
      %swap3A_89 = arith.constant 0 : index
      %swap3A_90 = arith.constant 0 : index
      %swap3A_91 = vector.load %arg17[%swap3A_89, %swap3A_90] : memref<100x1xf32, #tpu.memory_space<vmem>>, vector<100x1xf32>
      tpu.vector_store %arg17[%swap3A_89, %swap3A_90], %broadcast_in_dim3A_67 {strides = array<i32>} : memref<100x1xf32, #tpu.memory_space<vmem>>, vector<100x1xf32>,
    } else {
    }
    %gt3A = arith.constant 0 : i32
    %gt3A_72 = arith.cmpi sgt, %arg0, %gt3A : i32
    %convert_element_type3A_73 = arith.extui %gt3A_72 : i1 to i32
    %cond3A_74 = arith.constant 0 : i32
    %cond3A_75 = arith.cmpi ne, %convert_element_type3A_73, %cond3A_74 : i32
    scf.if %cond3A_75 {
      %get3A_81 = arith.constant 0 : index
      %get3A_82 = arith.constant 0 : index
      %get3A_83 = vector.load %arg14[%get3A_81, %get3A_82] : memref<100x128xf32, #tpu.memory_space<vmem>>, vector<100x128xf32>
      %add3A_84 = arith.addf %get3A_83, %dot_general3A_60 : vector<100x128xf32>
      %swap3A = arith.constant 0 : index
      %swap3A_85 = arith.constant 0 : index
      %swap3A_86 = vector.load %arg14[%swap3A, %swap3A_85] : memref<100x128xf32, #tpu.memory_space<vmem>>, vector<100x128xf32>
      tpu.vector_store %arg14[%swap3A, %swap3A_85], %add3A_84 {strides = array<i32>} : memref<100x128xf32, #tpu.memory_space<vmem>>, vector<100x128xf32>,
      %get3A_87 = arith.constant 0 : index
      %get3A_88 = arith.constant 0 : index
      %get3A_89 = vector.load %arg15[%get3A_87, %get3A_88] : memref<100x128xf32, #tpu.memory_space<vmem>>, vector<100x128xf32>
      %add3A_90 = arith.addf %get3A_89, %dot_general3A_62 : vector<100x128xf32>
      %swap3A_91 = arith.constant 0 : index
      %swap3A_92 = arith.constant 0 : index
      %swap3A_93 = vector.load %arg15[%swap3A_91, %swap3A_92] : memref<100x128xf32, #tpu.memory_space<vmem>>, vector<100x128xf32>
      tpu.vector_store %arg15[%swap3A_91, %swap3A_92], %add3A_90 {strides = array<i32>} : memref<100x128xf32, #tpu.memory_space<vmem>>, vector<100x128xf32>,
      %get3A_94 = arith.constant 0 : index
      %get3A_95 = arith.constant 0 : index
      %get3A_96 = vector.load %arg16[%get3A_94, %get3A_95] : memref<100x128xf32, #tpu.memory_space<vmem>>, vector<100x128xf32>
      %add3A_97 = arith.addf %get3A_96, %dot_general3A_64 : vector<100x128xf32>
      %swap3A_98 = arith.constant 0 : index
      %swap3A_99 = arith.constant 0 : index
      %swap3A_100 = vector.load %arg16[%swap3A_98, %swap3A_99] : memref<100x128xf32, #tpu.memory_space<vmem>>, vector<100x128xf32>
      tpu.vector_store %arg16[%swap3A_98, %swap3A_99], %add3A_97 {strides = array<i32>} : memref<100x128xf32, #tpu.memory_space<vmem>>, vector<100x128xf32>,
      %get3A_101 = arith.constant 0 : index
      %get3A_102 = arith.constant 0 : index
      %get3A_103 = vector.load %arg17[%get3A_101, %get3A_102] : memref<100x1xf32, #tpu.memory_space<vmem>>, vector<100x1xf32>
      %add3A_104 = arith.addf %get3A_103, %broadcast_in_dim3A_67 : vector<100x1xf32>
      %swap3A_105 = arith.constant 0 : index
      %swap3A_106 = arith.constant 0 : index
      %swap3A_107 = vector.load %arg17[%swap3A_105, %swap3A_106] : memref<100x1xf32, #tpu.memory_space<vmem>>, vector<100x1xf32>
      tpu.vector_store %arg17[%swap3A_105, %swap3A_106], %add3A_104 {strides = array<i32>} : memref<100x1xf32, #tpu.memory_space<vmem>>, vector<100x1xf32>,
    } else {
    }
    %eq3A_76 = arith.constant 1 : i32
    %eq3A_77 = arith.cmpi eq, %arg0, %eq3A_76 : i32
    %convert_element_type3A_78 = arith.extui %eq3A_77 : i1 to i32
    %cond3A_79 = arith.constant 0 : i32
    %cond3A_80 = arith.cmpi ne, %convert_element_type3A_78, %cond3A_79 : i32
    scf.if %cond3A_80 {
      %iota3A_81 = tpu.iota {dimensions = array<i32: 1>} : vector<100x8xi32>
      %get3A_82 = arith.constant 0 : index
      %get3A_83 = arith.constant 0 : index
      %get3A_84 = vector.load %arg8[%get3A_82, %get3A_83] : memref<100x1xi32, #tpu.memory_space<vmem>>, vector<100x1xi32>
      %eq3A_85 = vector.broadcast %get3A_84 : vector<100x1xi32> to vector<100x8xi32>
      %eq3A_86 = arith.cmpi eq, %eq3A_85, %iota3A_81 : vector<100x8xi32>
      %convert_element_type3A_87 = arith.extui %eq3A_86 : vector<100x8xi1> to vector<100x8xi32>
      %convert_element_type3A_88 = arith.sitofp %convert_element_type3A_87 : vector<100x8xi32> to vector<100x8xf32>
      %get3A_89 = arith.constant 0 : index
      %get3A_90 = arith.constant 0 : index
      %get3A_91 = vector.load %arg9[%get3A_89, %get3A_90] : memref<8x32xf32, #tpu.memory_space<vmem>>, vector<8x32xf32>
      %get3A_92 = arith.constant 0 : index
      %get3A_93 = arith.constant 0 : index
      %get3A_94 = vector.load %arg10[%get3A_92, %get3A_93] : memref<1x32xf32, #tpu.memory_space<vmem>>, vector<1x32xf32>
      %mul3A_95 = vector.broadcast %get3A_94 : vector<1x32xf32> to vector<8x32xf32>
      %mul3A_96 = arith.mulf %get3A_91, %mul3A_95 : vector<8x32xf32>
      %reduce_sum3A_97 = arith.constant dense<0.000000e+00> : vector<8xf32>
      %reduce_sum3A_98 = vector.multi_reduction <add>, %mul3A_96, %reduce_sum3A_97 [1] : vector<8x32xf32> to vector<8xf32>
      %broadcast_in_dim3A_99 = vector.shape_cast %reduce_sum3A_98 : vector<8xf32> to vector<8x1xf32>
      %dot_general3A_100 = arith.constant dense<0.000000e+00> : vector<100x1xf32>
      %dot_general3A_101 = tpu.matmul %convert_element_type3A_88, %broadcast_in_dim3A_99, %dot_general3A_100 {dimension_numbers = #tpu.dot_dimension_numbers<[1], [0], [0], [1], [0, 0, 1, 1], [], []>, transpose_lhs_hint = false} : vector<100x8xf32>, vector<8x1xf32>, vector<100x1xf32> -> vector<100x1xf32>
      %get3A_102 = arith.constant 0 : index
      %get3A_103 = arith.constant 0 : index
      %get3A_104 = vector.load %arg17[%get3A_102, %get3A_103] : memref<100x1xf32, #tpu.memory_space<vmem>>, vector<100x1xf32>
      %max3A_105 = arith.constant 1.000000e+00 : f32
      %max3A_106 = vector.broadcast %max3A_105 : f32 to vector<100x1xf32>
      %max3A_107 = arith.maximumf %get3A_104, %max3A_106 : vector<100x1xf32>
      %get3A_108 = arith.constant 0 : index
      %get3A_109 = arith.constant 0 : index
      %get3A_110 = vector.load %arg14[%get3A_108, %get3A_109] : memref<100x128xf32, #tpu.memory_space<vmem>>, vector<100x1xf32>
      %div3A_111 = arith.divf %get3A_110, %max3A_107 : vector<100x1xf32>
      %get3A_112 = arith.constant 0 : index
      %get3A_113 = arith.constant 1 : index
      %get3A_114 = vector.load %arg15[%get3A_112, %get3A_113] : memref<100x128xf32, #tpu.memory_space<vmem>>, vector<100x1xf32>
      %add3A_115 = arith.addf %div3A_111, %get3A_114 : vector<100x1xf32>
      %get3A_116 = arith.constant 0 : index
      %get3A_117 = arith.constant 2 : index
      %get3A_118 = vector.load %arg16[%get3A_116, %get3A_117] : memref<100x128xf32, #tpu.memory_space<vmem>>, vector<100x1xf32>
      %add3A_119 = arith.addf %add3A_115, %get3A_118 : vector<100x1xf32>
      %add3A_120 = arith.addf %add3A_119, %dot_general3A_101 : vector<100x1xf32>
      %get3A_121 = arith.constant 0 : index
      %get3A_122 = arith.constant 0 : index
      %get3A_123 = vector.load %arg12[%get3A_121, %get3A_122] : memref<1x1xf32, #tpu.memory_space<vmem>>, vector<1x1xf32>
      %add3A_124 = vector.broadcast %get3A_123 : vector<1x1xf32> to vector<100x1xf32>
      %add3A_125 = arith.addf %add3A_120, %add3A_124 : vector<100x1xf32>
      %swap3A = arith.constant 0 : index
      %swap3A_126 = arith.constant 0 : index
      %swap3A_127 = vector.load %arg13[%swap3A, %swap3A_126] : memref<100x1xf32, #tpu.memory_space<vmem>>, vector<100x1xf32>
      tpu.vector_store %arg13[%swap3A, %swap3A_126], %add3A_125 {strides = array<i32>} : memref<100x1xf32, #tpu.memory_space<vmem>>, vector<100x1xf32>,
    } else {
    }
    return
  }
  func.func @transform_0(%arg0: i32) -> (i32, i32, i32) {
    %c0_i32 = arith.constant 0 : i32
    %c0_i32_0 = arith.constant 0 : i32
    %c0_i32_1 = arith.constant 0 : i32
    return %c0_i32, %arg0, %c0_i32_0 : i32, i32, i32
  }
  func.func @transform_1(%arg0: i32) -> (i32, i32) {
    %c0_i32 = arith.constant 0 : i32
    %c0_i32_0 = arith.constant 0 : i32
    return %arg0, %c0_i32 : i32, i32
  }
  func.func @transform_2(%arg0: i32) -> (i32, i32) {
    %c0_i32 = arith.constant 0 : i32
    %c0_i32_0 = arith.constant 0 : i32
    %c0_i32_1 = arith.constant 0 : i32
    return %c0_i32, %c0_i32_0 : i32, i32
  }
  func.func @transform_3(%arg0: i32) -> (i32, i32) {
    %c0_i32 = arith.constant 0 : i32
    %c0_i32_0 = arith.constant 0 : i32
    return %c0_i32, %arg0 : i32, i32
  }
  func.func @transform_4(%arg0: i32) -> (i32, i32) {
    %c0_i32 = arith.constant 0 : i32
    %c0_i32_0 = arith.constant 0 : i32
    return %c0_i32, %arg0 : i32, i32
  }
  func.func @transform_5(%arg0: i32) -> (i32, i32) {
    %c0_i32 = arith.constant 0 : i32
    %c0_i32_0 = arith.constant 0 : i32
    %c0_i32_1 = arith.constant 0 : i32
    return %c0_i32, %c0_i32_0 : i32, i32
  }
  func.func @transform_6(%arg0: i32) -> (i32, i32) {
    %c0_i32 = arith.constant 0 : i32
    %c0_i32_0 = arith.constant 0 : i32
    %c0_i32_1 = arith.constant 0 : i32
    return %c0_i32, %c0_i32_0 : i32, i32
  }
  func.func @transform_7(%arg0: i32) -> (i32, i32) {
    %c0_i32 = arith.constant 0 : i32
    %c0_i32_0 = arith.constant 0 : i32
    %c0_i32_1 = arith.constant 0 : i32
    return %c0_i32, %c0_i32_0 : i32, i32
  }
  func.func @transform_8(%arg0: i32) -> (i32, i32) {
    %c0_i32 = arith.constant 0 : i32
    %c0_i32_0 = arith.constant 0 : i32
    %c0_i32_1 = arith.constant 0 : i32
    return %c0_i32, %c0_i32_0 : i32, i32
  }
  func.func @transform_9(%arg0: i32) -> (i32, i32) {
    %c0_i32 = arith.constant 0 : i32
    %c0_i32_0 = arith.constant 0 : i32
    %c0_i32_1 = arith.constant 0 : i32
    return %c0_i32, %c0_i32_0 : i32, i32
  }
  func.func @transform_10(%arg0: i32) -> (i32, i32) {
    %c0_i32 = arith.constant 0 : i32
    %c0_i32_0 = arith.constant 0 : i32
    %c0_i32_1 = arith.constant 0 : i32
    return %c0_i32, %c0_i32_0 : i32, i32
  }
  func.func @transform_11(%arg0: i32) -> (i32, i32) {
    %c0_i32 = arith.constant 0 : i32
    %c0_i32_0 = arith.constant 0 : i32
    %c0_i32_1 = arith.constant 0 : i32
    return %c0_i32, %c0_i32_0 : i32, i32
  }
  func.func @transform_12(%arg0: i32) -> (i32, i32) {
    %c0_i32 = arith.constant 0 : i32
    %c0_i32_0 = arith.constant 0 : i32
    %c0_i32_1 = arith.constant 0 : i32
    return %c0_i32, %c0_i32_0 : i32, i32
  }
}

</mosaic_0001>

<sc_bundles>
// kernel: kernel.11.cloned.1.call-start
scs
__scs_entry_jumppad:
0x0: {  	(pc) =	sbr.rel $0x88, $3  }
0x1: {  	(tag) =	ssettag $0x0;
	lr =	simm.s32 $0x1  }
0x2: {  	[smem:$0x3F95] =	sst lr;
	_ =	strace $0xD0000000  }
0x3: {  	_ = 	snop  }
0x4: {  	_ = 	snop  }
0x5: {  	_ = 	snop  }
0x6: {  	_ = 	snop  }
0x7: {  	_ = 	snop  }
__scs_overlays_trampoline_lowered:
0x8: {  	[smem:$0x3FA4] =	sst s0  }
0x9: {  	[smem:$0x3FA5] =	sst s1  }
0xa: {  	[smem:$0x3FA6] =	sst s2  }
0xb: {  	[smem:$0x3FA7] =	sst s3  }
0xc: {  	[smem:$0x3FA8] =	sst s4  }
0xd: {  	[smem:$0x3FA9] =	sst s5  }
0xe: {  	[smem:$0x3FAA] =	sst s6  }
0xf: {  	[smem:$0x3FAB] =	sst s7  }
0x10: {  	[smem:$0x3FAC] =	sst s8  }
0x11: {  	[smem:$0x3FAD] =	sst s9;
	s0 =	simm.s32 @!p0 $0x0  }
0x12: {  	s1 =	sld [smem:$0x3F93];
	s0 =	simm.s32 @p0 $0x1  }
0x13: {  	[smem:$0x3FAE] =	sst s0;
	s0 =	simm.s32 @!p1 $0x0  }
0x14: {  	s2 =	sld [smem:$0x3F92];
	s0 =	simm.s32 @p1 $0x1  }
0x15: {  	[smem:$0x3FAF] =	sst s0;
	s0 =	simm.s32 @!p2 $0x0  }
0x16: {  	s3 =	sld [smem:$0x3FDB];
	s0 =	simm.s32 @p2 $0x1  }
0x17: {  	s4 =	simm.s32 $0x1BF5;
	[smem:$0x3FB1] =	sst s0  }
0x18: {  	s0 =	sld [smem:$0x3F94];
	_ =	swait.ge [sflag:s4], $0x0  }
0x19: {  	s7 =	sld [smem:$0x3F95]  }
0x1a: {  	s8 =	sadd.s32 $0xFFFFE003, lr  }
0x1b: {  	s9 =	sadd.s32 $0xFFFFFEF7, lr;
	s5 =	simm.s32 $0xFFFFFFFF;
	p2 =	slt.u32 s8, $0xFFFFF086  }
0x1c: {  	p1 =	slt.u32 s9, $0xF7A;
	s5 =	simm.s32 @!p2 $0x0  }
0x1d: {  	s5 =	simm.s32 @p1 $0x1;
	p0 =	seq.s32 s7, s2  }
0x1e: {  	s7 =	smul.u32 @!p0 $0xF7A, s2;
	p2 =	seq.s32 @!p0 s5, $0x0  }
0x1f: {  	s9 =	smul.u32 $0xF7A, s1;
	s8 =	simm.s32 @!p0 $0x1BF5;
	p2 =	por !p2, p0  }
0x20: {  	[sflag:s8] =	ssyncset.s32 @!p0 $0xFFFFF086;
	s6 =	sadd.s32 @!p0 s3, s7;
	s7 =	simm.s32 @!p0 $0x108  }
0x21: {  	s3 =	sadd.s32 s3, s9;
	s6 =	sadd.s32 @!p0 $0x88, s6;
	s7 =	simm.s32 @p2 $0x1082  }
0x22: {  	[simem:s7], [sflag:s8] =	dma.local @!p0 [hbm:s6], $0xF7A  }
0x23: {  	s9 =	sor.u32 $0xD0000000, s2;
	s6 =	simm.s32 $0x108;
	_ =	swait.ge @!p0 [sflag:s8], $0x0  }
0x24: {  	s3 =	sadd.s32 $0x88, s3;
	s6 =	simm.s32 @!p1 $0x1082;
	[sflag:s4] =	ssyncset.s32 $0xFFFFF086  }
0x25: {  	[simem:s6], [sflag:s4] =	dma.local [hbm:s3], $0xF7A  }
0x26: {  	[smem:$0x3F95] =	sst s1;
	(tag) =	ssettag s2;
	_ =	strace s9  }
0x27: {  	s1 =	sld [smem:$0x3FA5]  }
0x28: {  	s2 =	sld [smem:$0x3FA6]  }
0x29: {  	s4 =	sld [smem:$0x3FA8]  }
0x2a: {  	p0 =	seq.s32 s5, $0x0;
	s5 =	sld [smem:$0x3FA9]  }
0x2b: {  	s6 =	sld [smem:$0x3FAA]  }
0x2c: {  	s7 =	sld [smem:$0x3FAB]  }
0x2d: {  	s3 =	simm.s32 $0x108;
	s8 =	sld [smem:$0x3FAC]  }
0x2e: {  	s3 =	simm.s32 @!p0 $0x1082;
	s9 =	sld [smem:$0x3FAD]  }
0x2f: {  	lr =	sadd.s32 s0, s3;
	s0 =	sld [smem:$0x3FA4]  }
0x30: {  	s3 =	sld [smem:$0x3FA7]  }
0x31: {  	[smem:$0x3FB0] =	sst s10  }
0x32: {  	s10 =	sld [smem:$0x3FAE];
	_ =	sdelay $0x3  }
0x33: {  	p0 =	seq.s32 s10, $0x1;
	s10 =	sld [smem:$0x3FB0];
	_ =	sdelay $0x3  }
0x34: {  	[smem:$0x3FB0] =	sst s10  }
0x35: {  	s10 =	sld [smem:$0x3FAF];
	_ =	sdelay $0x3  }
0x36: {  	p1 =	seq.s32 s10, $0x1;
	s10 =	sld [smem:$0x3FB0];
	_ =	sdelay $0x3  }
0x37: {  	[smem:$0x3FB0] =	sst s10  }
0x38: {  	s10 =	sld [smem:$0x3FB1]  }
0x39: {  	_ = 	snop;
	(pc) =	sbr.ind lr, $3  }
0x3a: {  	_ = 	snop  }
0x3b: {  	_ = 	snop  }
0x3c: {  	p2 =	seq.s32 s10, $0x1;
	s10 =	sld [smem:$0x3FB0]  }
0x3d: {  	_ =	shalt  }
0x3e: {  	_ =	shalt  }
0x3f: {  	_ =	shalt  }
0x40: {  	_ =	shalt  }
0x41: {  	_ =	shalt  }
0x42: {  	_ =	shalt  }
0x43: {  	_ =	shalt  }
0x44: {  	_ =	shalt  }
0x45: {  	_ =	shalt  }
0x46: {  	_ =	shalt  }
0x47: {  	_ =	shalt  }
0x48: {  	_ =	shalt  }
0x49: {  	_ =	shalt  }
0x4a: {  	_ =	shalt  }
0x4b: {  	_ =	shalt  }
0x4c: {  	_ =	shalt  }
0x4d: {  	_ =	shalt  }
0x4e: {  	_ =	shalt  }
0x4f: {  	_ =	shalt  }
0x50: {  	_ =	shalt  }
0x51: {  	_ =	shalt  }
0x52: {  	_ =	shalt  }
0x53: {  	_ =	shalt  }
0x54: {  	_ =	shalt  }
0x55: {  	_ =	shalt  }
0x56: {  	_ =	shalt  }
0x57: {  	_ =	shalt  }
0x58: {  	_ =	shalt  }
0x59: {  	_ =	shalt  }
0x5a: {  	_ =	shalt  }
0x5b: {  	_ =	shalt  }
0x5c: {  	_ =	shalt  }
0x5d: {  	_ =	shalt  }
0x5e: {  	_ =	shalt  }
0x5f: {  	_ =	shalt  }
0x60: {  	_ =	shalt  }
0x61: {  	_ =	shalt  }
0x62: {  	_ =	shalt  }
0x63: {  	_ =	shalt  }
0x64: {  	_ =	shalt  }
0x65: {  	_ =	shalt  }
0x66: {  	_ =	shalt  }
0x67: {  	_ =	shalt  }
0x68: {  	_ =	shalt  }
0x69: {  	_ =	shalt  }
0x6a: {  	_ =	shalt  }
0x6b: {  	_ =	shalt  }
0x6c: {  	_ =	shalt  }
0x6d: {  	_ =	shalt  }
0x6e: {  	_ =	shalt  }
0x6f: {  	_ =	shalt  }
0x70: {  	_ =	shalt  }
0x71: {  	_ =	shalt  }
0x72: {  	_ =	shalt  }
0x73: {  	_ =	shalt  }
0x74: {  	_ =	shalt  }
0x75: {  	_ =	shalt  }
0x76: {  	_ =	shalt  }
0x77: {  	_ =	shalt  }
0x78: {  	_ =	shalt  }
0x79: {  	_ =	shalt  }
0x7a: {  	_ =	shalt  }
0x7b: {  	_ =	shalt  }
0x7c: {  	_ =	shalt  }
0x7d: {  	_ =	shalt  }
0x7e: {  	_ =	shalt  }
0x7f: {  	_ =	shalt  }
0x80: {  	_ =	shalt  }
0x81: {  	_ =	shalt  }
0x82: {  	_ =	shalt  }
0x83: {  	_ =	shalt  }
0x84: {  	_ =	shalt  }
0x85: {  	_ =	shalt  }
0x86: {  	_ =	shalt  }
0x87: {  	_ =	shalt  }
.Lfunc_end0:
.L_simem_size_0:
called_computation.1_lowered:
.L_overlay_start_0:
0x88: {  	s2 =	sld [smem:$0x3FD9]  }
0x89: {  	s3 =	sld [smem:$0x3FFE];
	_ =	sdelay $0x1  }
0x8a: {  	s1 =	srdreg.scid  }
0x8b: {  	s0 =	sand.u32 $0x1, s1  }
0x8c: {  	s16 =	sshll.u32 s0, $0xA;
	s2 =	sadd.s32 s3, s2  }
0x8d: {  	s2 =	sadd.s32 s2, s16  }
0x8e: {  	[smem:$0x3FBC] =	sst s2  }
0x8f: {  	_ = 	snop  }
0x90: {  	(tm) =	ssettm $0x1  }
0x91: {  	s17 =	sld [smem:$0x3FFB];
	_ =	sdelay $0x3  }
0x92: {  	_ =	strace s17  }
0x93: {  	s2 =	sld [smem:$0x3FFC];
	_ =	sdelay $0x3  }
0x94: {  	_ =	strace s2  }
0x95: {  	s2 =	sld [smem:$0x3FFD];
	_ =	sdelay $0x3  }
0x96: {  	_ =	strace s2  }
0x97: {  	_ =	strace $0x8FFFFFFF  }
0x98: {  	s18 =	sld [smem:$0x3FDB];
	_ =	sdelay $0x1  }
0x99: {  	s19 =	simm.s32 $_scs_section_size  }
0x9a: {  	s4 =	simm.s32 $_size__tile_overlayer_lowered;
	s5 =	simm.s32 $_tile_overlayer_lowered  }
0x9b: {  	s22 =	simm.s32 $0x1BFF;
	s21 =	sshll.u32 s5, $0x1;
	s2 =	sadd.s32 s19, s18  }
0x9c: {  	s6 =	simm.s32 $0x0;
	s20 =	sshll.u32 s4, $0x1;
	s4 =	sadd.s32 s21, s2  }
0x9d: {  	[timem:s6], [sflag:s22] =	dma.local [hbm:s4], s20  }
0x9e: {  	_ =	swait.ge [sflag:s22], s20  }
0x9f: {  	s3 =	ssub.s32 $0x0, s20;
	[sflag:s22] =	ssyncset.done $0x0  }
0xa0: {  	[sflag:s22] =	ssyncadd.s32 s3;
	_ =	sdelay $0x1  }
0xa1: {  	s23 =	simm.s32 $0x1B8B  }
0xa2: {  	_ =	swait.ge [sflag:s23], $0x1  }
0xa3: {  	[sflag:s23] =	ssyncset.done $0x0  }
0xa4: {  	s25 =	simm.s32 $0x1B8E;
	s24 =	sld [smem:$0x3FFE];
	[sflag:s23] =	ssyncadd.s32 $0xFFFFFFFF  }
0xa5: {  	s26 =	simm.s32 $execute0_lowered;
	[smem:$0x3FD2] =	sst s25  }
0xa6: {  	s4 =	sshll.u32 s26, $0x1;
	_ =	strace $0x80000049;
	[dreg:$0x1] =	wrdreg $0xFFFFFFFF  }
0xa7: {  	s28 =	simm.s32 $_size_execute0_lowered;
	s2 =	sadd.s32 s2, s4;
	[dreg:$0x0] =	wrdreg $0x0  }
0xa8: {  	s4 =	sshll.u32 s28, $0x1;
	[dreg:$0x2] =	wrdreg s2  }
0xa9: {  	[dreg:$0x3] =	wrdreg s4  }
0xaa: {  	[dreg:$0x4] =	wrdreg $0xC0  }
0xab: {  	_ =	task [dreg:s6], $0x5FFFF  }
0xac: {  	[dreg:$0x1] =	wrdreg $0xFFFFFFFF  }
0xad: {  	[dreg:$0x0] =	wrdreg $0x60  }
0xae: {  	[dreg:$0x2] =	wrdreg s24  }
0xaf: {  	[dreg:$0x3] =	wrdreg $0xA9000  }
0xb0: {  	[dreg:$0x4] =	wrdreg $0x9  }
0xb1: {  	_ =	task.clear_ibuf [dreg:s6], $0x5FFFF;
	_ =	strace $0x90000049  }
0xb2: {  	s29 =	simm.s32 $0x9;
	_ =	strace $0x8000004B  }
0xb3: {  	_ =	swait.ge [sflag:s29], $0x1  }
0xb4: {  	[sflag:s29] =	ssyncadd.s32 $0xFFFFFFFF  }
0xb5: {  	_ =	strace $0x9000004B  }
0xb6: {  	_ =	sfence  }
0xb7: {  	s30 =	sld [smem:$0x0];
	_ =	sdelay $0x2  }
0xb8: {  	s31 =	sshll.u32 s1, $0xD;
	s1 =	sshrl.u32 s1, $0x2  }
0xb9: {  	s3 =	sand.u32 $0x4000, s31;
	s1 =	sadd.s32 s1, s30  }
0xba: {  	s0 =	sor.u32 s3, s0;
	s1 =	sshll.u32 s1, $0x11  }
0xbb: {  	s0 =	sor.u32 s1, s0  }
0xbc: {  	s0 =	sadd.s32 $0x8F2B, s0  }
0xbd: {  	[sflag:s0] =	ssyncadd.remote.s32 $0x1  }
0xbe: {  	_ =	sfence.sel $0xFFFF  }
0xbf: {  	[dreg:$0x0] =	wrdreg $0xFFFFFFFF;
	(pc) =	sbr.abs _section_cstart, $3  }
0xc0: {  	[dreg:$0x1] =	wrdreg $0xFFFFFFFF  }
0xc1: {  	_ =	task.clear_ibuf [dreg:s6], $0x2FFFF;
	_ =	strace $0x9FFFFFFF  }
0xc2: {  	(tm) =	ssettm $0x7FFFFFFF  }
0xc3: {  	_ =	shalt  }
tec
execute0_lowered:
.L_overlay_start_1:
0x0: {  	(tag) =	ssettag $0x1  }
0x1: {  	s1 =	rddreg [dreg:$0x0]  }
0x2: {  	s3 =	srdreg.scid;
	s0 =	stileid.u32  }
0x3: {  	s2 =	rddreg [dreg:$0x1];
	s17 =	simm.s32 $0x2800;
	s18 =	simm.s32 $0x2900  }
0x4: {  	s19 =	simm.s32 $0x5;
	s20 =	simm.s32 $0x2880;
	s7 =	smul.u32 $0x2800, s0  }
0x5: {  	s21 =	simm.s32 $0x80;
	s29 =	simm.s32 $0x0;
	s11 =	smul.u32 $0x50000, s0  }
0x6: {  	s5 =	sand.u32 $0x1, s3;
	s4 =	sshll.u32 s0, $0x1;
	s12 =	smul.u32 $0x5000, s0  }
0x7: {  	s3 =	simm.s32 $0x0;
	s14 =	sadd.s32 $0x2E00, s1;
	s22 =	smul.u32 $0x28000, s5  }
0x8: {  	s4 =	sor.u32 s5, s4;
	[smem:$0x7FF] =	sst s3;
	s26 =	smul.u32 $0x2800, s5  }
0x9: {  	s23 =	ssub.s32 $0x2, s5;
	s6 =	smul.u32 $0x2800, s4;
	_ =	strace $0x8000004A  }
0xa: {  	s4 =	sadd.s32 $0x16E00, s1;
	s24 =	sshrl.u32 s23, $0x1;
	s25 =	sshrl.u32 s11, $0x2  }
0xb: {  	s10 =	sadd.s32 s7, s1;
	s13 =	ssub.s32 s23, s24;
	s15 =	sadd.s32 s25, s2  }
0xc: {  	s28 =	sadd.s32 $0x160E00, s10;
	s12 =	sadd.s32 s26, s12;
	s23 =	simm.s32 $0x3  }
0xd: {  	s24 =	simm.s32 $0x1;
	s25 =	simm.s32 $0x4;
	s26 =	simm.s32 $0x2  }
0xe: {  	s9 =	sshrl.u32 s6, $0x3;
	s6 =	sadd.s32 s7, s22;
	[dreg:$0x3] =	wrdreg s28  }
0xf: {  	s30 =	sor.u32 $0x80, s12;
	s11 =	smax.u32 s13, $0x1;
	s16 =	sor.u32 $0x100, s12  }
0x10: {  	s15 =	sshrl.u32 s15, $0x3;
	s22 =	simm.s32 $0x6900;
	s8 =	sadd.s32 s9, s1  }
0x11: {  	s1 =	sadd.s32 s6, s1;
	s6 =	sshll.u32 s0, $0x6;
	s9 =	sadd.s32 s14, s9  }
0x12: {  	s31 =	sshrl.u32 s16, $0x3;
	s16 =	simm.s32 $0x6;
	s7 =	sor.u32 $0x1C05, s6  }
0x13: {  	s8 =	sadd.s32 $0x156E00, s8;
	s10 =	sadd.s32 $0x188E00, s1;
	s1 =	sshrl.u32 s30, $0x3  }
0x14: {  	s12 =	sadd.s32 $0x4F0, s9;
	s13 =	sadd.s32 s1, s14;
	s14 =	sadd.s32 s31, s14  }
.LBB2_1:
0x15: {  	s0 =	rddreg [dreg:$0x3]  }
0x16: {  	[spmem:s15], [sflag:s7] =	dma.local [hbm:s0], $0x2800  }
0x17: {  	[tilespmem:s3], [sflag:$0x6] =	stream.linear.gather [hbm4b:s8+s3], $0x2800, $0x38;
	[tilespmem:$0x1E900] =	vst v63  }
0x18: {  	_ =	swait.ge [sflag:s16], $0x2800  }
0x19: {  	[sflag:s16] =	ssyncset.done $0x0  }
0x1a: {  	[sflag:s16] =	ssyncadd.s32 $0xFFFFD800  }
0x1b: {  	[tilespmem:s17], [sflag:$0x3] =	stream.linear.gather [hbm4b:s9+s3], $0x80, $0x38;
	[tilespmem:$0x1E900] =	vst v63  }
0x1c: {  	_ = 	snop  }
0x1d: {  	[tilespmem:s18], [sflag:$0x1] =	stream.indirect.gather [hbm4b:s4+s21], $0x80, s3, s21, $0xb8;
	[tilespmem:$0x1E900] =	vst v63  }
0x1e: {  	_ =	swait.ge [sflag:s19], $0x2800  }
0x1f: {  	[sflag:s19] =	ssyncset.done $0x0  }
0x20: {  	[sflag:s19] =	ssyncadd.s32 $0xFFFFD800  }
0x21: {  	s1 =	sadd.s32 $0x0, s13;
	[bflag:$0x0] =	sbarrier.arrive $0xFFFF  }
0x22: {  	[tilespmem:s20], [sflag:$0x4] =	stream.linear.gather [hbm4b:s1+s3], $0x80, $0x38;
	[tilespmem:$0x1E900] =	vst v63  }
0x23: {  	_ = 	snop  }
0x24: {  	[tilespmem:s22], [sflag:$0x2] =	stream.indirect.gather [hbm4b:s4+s21], $0x80, s21, s21, $0xb8;
	[tilespmem:$0x1E900] =	vst v63  }
0x25: {  	_ =	swait.ge [sflag:s23], $0x80  }
0x26: {  	[sflag:s23] =	ssyncset.done $0x0  }
0x27: {  	[sflag:s23] =	ssyncadd.s32 $0xFFFFFF80  }
0x28: {  	_ =	swait.ge [sflag:s24], $0x4000  }
0x29: {  	[sflag:s24] =	ssyncset.done $0x0  }
0x2a: {  	[sflag:s24] =	ssyncadd.s32 $0xFFFFC000  }
0x2b: {  	[spmem:s2] =	stream.indirect.scatter.add.f32 [tilespmem:s18], [sflag:$0x6], $0x80, s17, s21, $0xb8;
	[tilespmem:$0x1E900] =	vst v63  }
0x2c: {  	_ =	swait.ge [sflag:s16], $0x4000  }
0x2d: {  	[sflag:s16] =	ssyncset.done $0x0  }
0x2e: {  	s5 =	sadd.s32 $0x0, s14;
	[sflag:s16] =	ssyncadd.s32 $0xFFFFC000  }
0x2f: {  	[tilespmem:s17], [sflag:$0x3] =	stream.linear.gather [hbm4b:s5+s3], $0x80, $0x38;
	[tilespmem:$0x1E900] =	vst v63  }
0x30: {  	s28 =	simm.s32 $0x100  }
0x31: {  	[tilespmem:s18], [sflag:$0x1] =	stream.indirect.gather [hbm4b:s4+s21], $0x80, s28, s21, $0xb8;
	[tilespmem:$0x1E900] =	vst v63  }
0x32: {  	_ =	swait.ge [sflag:s25], $0x80  }
0x33: {  	[sflag:s25] =	ssyncset.done $0x0  }
0x34: {  	[sflag:s25] =	ssyncadd.s32 $0xFFFFFF80  }
0x35: {  	_ =	swait.ge [sflag:s26], $0x4000  }
0x36: {  	[sflag:s26] =	ssyncset.done $0x0  }
0x37: {  	[sflag:s26] =	ssyncadd.s32 $0xFFFFC000  }
0x38: {  	[spmem:s2] =	stream.indirect.scatter.add.f32 [tilespmem:s22], [sflag:$0x6], $0x80, s20, s21, $0xb8;
	[tilespmem:$0x1E900] =	vst v63  }
0x39: {  	s30 =	simm.s32 $0x20;
	_ =	swait.ge [sflag:s16], $0x4000  }
0x3a: {  	s31 =	simm.s32 $0x180;
	s1 =	simm.s32 $0x40;
	[sflag:s16] =	ssyncset.done $0x0  }
.LBB2_2:
0x3b: {  	s0 =	sadd.s32 s30, s13  }
0x3c: {  	[sflag:s16] =	ssyncadd.s32 $0xFFFFC000;
	s28 =	smov.u32 s1;
	s5 =	sadd.s32 $0x20, s1  }
0x3d: {  	[tilespmem:s20], [sflag:$0x4] =	stream.linear.gather [hbm4b:s0+s3], $0x80, $0x38;
	[tilespmem:$0x1E900] =	vst v63  }
0x3e: {  	p0 =	sne.s32 s1, $0x4C0  }
0x3f: {  	[tilespmem:s22], [sflag:$0x2] =	stream.indirect.gather [hbm4b:s4+s21], $0x80, s31, s21, $0xb8;
	[tilespmem:$0x1E900] =	vst v63  }
0x40: {  	_ =	swait.ge [sflag:s23], $0x80  }
0x41: {  	[sflag:s23] =	ssyncset.done $0x0  }
0x42: {  	[sflag:s23] =	ssyncadd.s32 $0xFFFFFF80  }
0x43: {  	_ =	swait.ge [sflag:s24], $0x4000  }
0x44: {  	[sflag:s24] =	ssyncset.done $0x0  }
0x45: {  	[sflag:s24] =	ssyncadd.s32 $0xFFFFC000  }
0x46: {  	[spmem:s2] =	stream.indirect.scatter.add.f32 [tilespmem:s18], [sflag:$0x6], $0x80, s17, s21, $0xb8;
	[tilespmem:$0x1E900] =	vst v63  }
0x47: {  	_ =	swait.ge [sflag:s16], $0x4000  }
0x48: {  	[sflag:s16] =	ssyncset.done $0x0  }
0x49: {  	s0 =	sadd.s32 s30, s14;
	s30 =	smov.u32 s28;
	[sflag:s16] =	ssyncadd.s32 $0xFFFFC000  }
0x4a: {  	[tilespmem:s17], [sflag:$0x3] =	stream.linear.gather [hbm4b:s0+s3], $0x80, $0x38;
	[tilespmem:$0x1E900] =	vst v63  }
0x4b: {  	s0 =	sadd.s32 $0x80, s31  }
0x4c: {  	[tilespmem:s18], [sflag:$0x1] =	stream.indirect.gather [hbm4b:s4+s21], $0x80, s0, s21, $0xb8;
	[tilespmem:$0x1E900] =	vst v63  }
0x4d: {  	_ =	swait.ge [sflag:s25], $0x80  }
0x4e: {  	[sflag:s25] =	ssyncset.done $0x0  }
0x4f: {  	[sflag:s25] =	ssyncadd.s32 $0xFFFFFF80  }
0x50: {  	_ =	swait.ge [sflag:s26], $0x4000  }
.Ltmp0:
0x51: {  	[sflag:s26] =	ssyncset.done $0x0;
	(pc) =	sbr.rel @p0 .LBB2_2-.Ltmp0, $4  }
0x52: {  	[sflag:s26] =	ssyncadd.s32 $0xFFFFC000  }
0x53: {  	[spmem:s2] =	stream.indirect.scatter.add.f32 [tilespmem:s22], [sflag:$0x6], $0x80, s20, s21, $0xb8;
	[tilespmem:$0x1E900] =	vst v63  }
0x54: {  	_ =	swait.ge [sflag:s16], $0x4000  }
0x55: {  	s1 =	smov.u32 s5;
	s31 =	sadd.s32 $0x100, s31;
	[sflag:s16] =	ssyncset.done $0x0  }
0x56: {  	s0 =	sadd.s32 s30, s13;
	[sflag:s16] =	ssyncadd.s32 $0xFFFFC000  }
0x57: {  	[tilespmem:s20], [sflag:$0x4] =	stream.linear.gather [hbm4b:s0+s3], $0x80, $0x38;
	[tilespmem:$0x1E900] =	vst v63  }
0x58: {  	_ = 	snop  }
0x59: {  	[tilespmem:s22], [sflag:$0x2] =	stream.indirect.gather [hbm4b:s4+s21], $0x80, s31, s21, $0xb8;
	[tilespmem:$0x1E900] =	vst v63  }
0x5a: {  	_ =	swait.ge [sflag:s23], $0x80  }
0x5b: {  	[sflag:s23] =	ssyncset.done $0x0  }
0x5c: {  	[sflag:s23] =	ssyncadd.s32 $0xFFFFFF80  }
0x5d: {  	_ =	swait.ge [sflag:s24], $0x4000  }
0x5e: {  	[sflag:s24] =	ssyncset.done $0x0  }
0x5f: {  	[sflag:s24] =	ssyncadd.s32 $0xFFFFC000  }
0x60: {  	[spmem:s2] =	stream.indirect.scatter.add.f32 [tilespmem:s18], [sflag:$0x6], $0x80, s17, s21, $0xb8;
	[tilespmem:$0x1E900] =	vst v63  }
0x61: {  	_ =	swait.ge [sflag:s16], $0x4000  }
0x62: {  	[sflag:s16] =	ssyncset.done $0x0  }
0x63: {  	s5 =	sadd.s32 s30, s14;
	[sflag:s16] =	ssyncadd.s32 $0xFFFFC000  }
0x64: {  	[tilespmem:s17], [sflag:$0x3] =	stream.linear.gather [hbm4b:s5+s3], $0x80, $0x38;
	[tilespmem:$0x1E900] =	vst v63  }
0x65: {  	s28 =	sadd.s32 $0x80, s31  }
0x66: {  	[tilespmem:s18], [sflag:$0x1] =	stream.indirect.gather [hbm4b:s4+s21], $0x80, s28, s21, $0xb8;
	[tilespmem:$0x1E900] =	vst v63  }
0x67: {  	_ =	swait.ge [sflag:s25], $0x80  }
0x68: {  	[sflag:s25] =	ssyncset.done $0x0  }
0x69: {  	[sflag:s25] =	ssyncadd.s32 $0xFFFFFF80  }
0x6a: {  	_ =	swait.ge [sflag:s26], $0x4000  }
0x6b: {  	[sflag:s26] =	ssyncset.done $0x0  }
0x6c: {  	[sflag:s26] =	ssyncadd.s32 $0xFFFFC000  }
0x6d: {  	[spmem:s2] =	stream.indirect.scatter.add.f32 [tilespmem:s22], [sflag:$0x6], $0x80, s20, s21, $0xb8;
	[tilespmem:$0x1E900] =	vst v63  }
0x6e: {  	_ =	swait.ge [sflag:s16], $0x4000  }
0x6f: {  	[sflag:s16] =	ssyncset.done $0x0  }
0x70: {  	[sflag:s16] =	ssyncadd.s32 $0xFFFFC000  }
0x71: {  	[tilespmem:s20], [sflag:$0x4] =	stream.linear.gather [hbm4b:s12+s3], $0x80, $0x38;
	[tilespmem:$0x1E900] =	vst v63  }
0x72: {  	s30 =	simm.s32 $0x2780  }
0x73: {  	[tilespmem:s22], [sflag:$0x2] =	stream.indirect.gather [hbm4b:s4+s21], $0x80, s30, s21, $0xb8;
	[tilespmem:$0x1E900] =	vst v63  }
0x74: {  	_ =	swait.ge [sflag:s23], $0x80  }
0x75: {  	[sflag:s23] =	ssyncset.done $0x0  }
0x76: {  	[sflag:s23] =	ssyncadd.s32 $0xFFFFFF80  }
0x77: {  	_ =	swait.ge [sflag:s24], $0x4000  }
0x78: {  	[sflag:s24] =	ssyncset.done $0x0  }
0x79: {  	[sflag:s24] =	ssyncadd.s32 $0xFFFFC000  }
0x7a: {  	[spmem:s2] =	stream.indirect.scatter.add.f32 [tilespmem:s18], [sflag:$0x6], $0x80, s17, s21, $0xb8;
	[tilespmem:$0x1E900] =	vst v63  }
0x7b: {  	_ =	swait.ge [sflag:s16], $0x4000  }
0x7c: {  	[sflag:s16] =	ssyncset.done $0x0  }
0x7d: {  	[sflag:s16] =	ssyncadd.s32 $0xFFFFC000  }
0x7e: {  	_ =	swait.ge [sflag:s25], $0x80  }
0x7f: {  	[sflag:s25] =	ssyncset.done $0x0  }
0x80: {  	[sflag:s25] =	ssyncadd.s32 $0xFFFFFF80  }
0x81: {  	_ =	swait.ge [sflag:s26], $0x4000  }
0x82: {  	[sflag:s26] =	ssyncset.done $0x0  }
0x83: {  	[sflag:s26] =	ssyncadd.s32 $0xFFFFC000  }
0x84: {  	[spmem:s2] =	stream.indirect.scatter.add.f32 [tilespmem:s22], [sflag:$0x6], $0x80, s20, s21, $0xb8;
	[tilespmem:$0x1E900] =	vst v63  }
0x85: {  	_ =	swait.ge [sflag:s16], $0x4000  }
0x86: {  	s29 =	sadd.s32 $0x1, s29;
	[sflag:s16] =	ssyncset.done $0x0  }
0x87: {  	p0 =	sne.s32 s29, s11;
	[sflag:s16] =	ssyncadd.s32 $0xFFFFC000  }
.Ltmp1:
0x88: {  	s31 =	sor.u32 $0x1C06, s6;
	[bflag:$0x0] =	sbarrier.arrive $0xFFFF;
	(pc) =	sbr.rel @p0 .LBB2_1-.Ltmp1, $4  }
0x89: {  	[hbm:s10], [sflag:s31] =	dma.local [spmem:s15], $0x2800  }
0x8a: {  	_ =	swait.ge [sflag:s16], $0x2800  }
0x8b: {  	[sflag:s16] =	ssyncset.done $0x0  }
0x8c: {  	[sflag:s16] =	ssyncadd.s32 $0xFFFFD800  }
0x8d: {  	_ =	sfence.sel $0x180000  }
0x8e: {  	[bflag:$0x0] =	sbarrier.arrive $0xFFFF  }
0x8f: {  	_ =	strace $0x9000004A  }
0x90: {  	s0 =	stileid.u32;
	[bflag:$0x2] =	sbarrier.arrive $0xFFFF  }
0x91: {  	p0 =	sne.s32 s0, $0x0;
	s0 =	rddreg [dreg:$0x2]  }
0x92: {  	s0 =	sadd.s32 @!p0 $0x100000, s0  }
0x93: {  	[sflag:s0] =	ssyncadd.tile.s32 @!p0 $0x1;
	_ =	shalt  }
.Lfunc_end2:
_tile_overlayer_lowered:
.L_overlay_start_2:
0x94: {  	(tag) =	ssettag $0x2  }
0x95: {  	s0 =	rddreg [dreg:$0x0];
	s2 =	stileid.u32  }
0x96: {  	s1 =	rddreg [dreg:$0x1];
	p0 =	sne.s32 s2, $0x0  }
0x97: {  	s3 =	rddreg [dreg:$0x2];
	[bflag:$0x3] =	sbarrier.arrive $0xFFFF;
	s2 =	simm.s32 @!p0 $0x1C06  }
0x98: {  	[timem:s3], [sflag:s2] =	dma.local @!p0 [hbm:s0], s1  }
0x99: {  	s0 =	simm.s32 @!p0 $0x6  }
0x9a: {  	_ =	swait.ge @!p0 [sflag:s0], s1  }
0x9b: {  	s1 =	ssub.s32 @!p0 $0x0, s1;
	[sflag:s0] =	ssyncset.done @!p0 $0x0  }
0x9c: {  	[sflag:s0] =	ssyncadd.s32 @!p0 s1  }
0x9d: {  	[bflag:$0x3] =	sbarrier.arrive $0xFFFF  }
0x9e: {  	_ =	shalt  }

// kernel: kernel.14.cloned.1.call-start
scs
__scs_entry_jumppad:
0x0: {  	(pc) =	sbr.rel $0x88, $3  }
0x1: {  	(tag) =	ssettag $0x0;
	lr =	simm.s32 $0x1  }
0x2: {  	[smem:$0x3F95] =	sst lr;
	_ =	strace $0xD0000000  }
0x3: {  	_ = 	snop  }
0x4: {  	_ = 	snop  }
0x5: {  	_ = 	snop  }
0x6: {  	_ = 	snop  }
0x7: {  	_ = 	snop  }
__scs_overlays_trampoline_lowered:
0x8: {  	[smem:$0x3FA4] =	sst s0  }
0x9: {  	[smem:$0x3FA5] =	sst s1  }
0xa: {  	[smem:$0x3FA6] =	sst s2  }
0xb: {  	[smem:$0x3FA7] =	sst s3  }
0xc: {  	[smem:$0x3FA8] =	sst s4  }
0xd: {  	[smem:$0x3FA9] =	sst s5  }
0xe: {  	[smem:$0x3FAA] =	sst s6  }
0xf: {  	[smem:$0x3FAB] =	sst s7  }
0x10: {  	[smem:$0x3FAC] =	sst s8  }
0x11: {  	[smem:$0x3FAD] =	sst s9;
	s0 =	simm.s32 @!p0 $0x0  }
0x12: {  	s1 =	sld [smem:$0x3F93];
	s0 =	simm.s32 @p0 $0x1  }
0x13: {  	[smem:$0x3FAE] =	sst s0;
	s0 =	simm.s32 @!p1 $0x0  }
0x14: {  	s2 =	sld [smem:$0x3F92];
	s0 =	simm.s32 @p1 $0x1  }
0x15: {  	[smem:$0x3FAF] =	sst s0;
	s0 =	simm.s32 @!p2 $0x0  }
0x16: {  	s3 =	sld [smem:$0x3FDB];
	s0 =	simm.s32 @p2 $0x1  }
0x17: {  	s4 =	simm.s32 $0x1BF5;
	[smem:$0x3FB1] =	sst s0  }
0x18: {  	s0 =	sld [smem:$0x3F94];
	_ =	swait.ge [sflag:s4], $0x0  }
0x19: {  	s7 =	sld [smem:$0x3F95]  }
0x1a: {  	s8 =	sadd.s32 $0xFFFFE003, lr  }
0x1b: {  	s9 =	sadd.s32 $0xFFFFFEF7, lr;
	s5 =	simm.s32 $0xFFFFFFFF;
	p2 =	slt.u32 s8, $0xFFFFF086  }
0x1c: {  	p1 =	slt.u32 s9, $0xF7A;
	s5 =	simm.s32 @!p2 $0x0  }
0x1d: {  	s5 =	simm.s32 @p1 $0x1;
	p0 =	seq.s32 s7, s2  }
0x1e: {  	s7 =	smul.u32 @!p0 $0xF7A, s2;
	p2 =	seq.s32 @!p0 s5, $0x0  }
0x1f: {  	s9 =	smul.u32 $0xF7A, s1;
	s8 =	simm.s32 @!p0 $0x1BF5;
	p2 =	por !p2, p0  }
0x20: {  	[sflag:s8] =	ssyncset.s32 @!p0 $0xFFFFF086;
	s6 =	sadd.s32 @!p0 s3, s7;
	s7 =	simm.s32 @!p0 $0x108  }
0x21: {  	s3 =	sadd.s32 s3, s9;
	s6 =	sadd.s32 @!p0 $0x88, s6;
	s7 =	simm.s32 @p2 $0x1082  }
0x22: {  	[simem:s7], [sflag:s8] =	dma.local @!p0 [hbm:s6], $0xF7A  }
0x23: {  	s9 =	sor.u32 $0xD0000000, s2;
	s6 =	simm.s32 $0x108;
	_ =	swait.ge @!p0 [sflag:s8], $0x0  }
0x24: {  	s3 =	sadd.s32 $0x88, s3;
	s6 =	simm.s32 @!p1 $0x1082;
	[sflag:s4] =	ssyncset.s32 $0xFFFFF086  }
0x25: {  	[simem:s6], [sflag:s4] =	dma.local [hbm:s3], $0xF7A  }
0x26: {  	[smem:$0x3F95] =	sst s1;
	(tag) =	ssettag s2;
	_ =	strace s9  }
0x27: {  	s1 =	sld [smem:$0x3FA5]  }
0x28: {  	s2 =	sld [smem:$0x3FA6]  }
0x29: {  	s4 =	sld [smem:$0x3FA8]  }
0x2a: {  	p0 =	seq.s32 s5, $0x0;
	s5 =	sld [smem:$0x3FA9]  }
0x2b: {  	s6 =	sld [smem:$0x3FAA]  }
0x2c: {  	s7 =	sld [smem:$0x3FAB]  }
0x2d: {  	s3 =	simm.s32 $0x108;
	s8 =	sld [smem:$0x3FAC]  }
0x2e: {  	s3 =	simm.s32 @!p0 $0x1082;
	s9 =	sld [smem:$0x3FAD]  }
0x2f: {  	lr =	sadd.s32 s0, s3;
	s0 =	sld [smem:$0x3FA4]  }
0x30: {  	s3 =	sld [smem:$0x3FA7]  }
0x31: {  	[smem:$0x3FB0] =	sst s10  }
0x32: {  	s10 =	sld [smem:$0x3FAE];
	_ =	sdelay $0x3  }
0x33: {  	p0 =	seq.s32 s10, $0x1;
	s10 =	sld [smem:$0x3FB0];
	_ =	sdelay $0x3  }
0x34: {  	[smem:$0x3FB0] =	sst s10  }
0x35: {  	s10 =	sld [smem:$0x3FAF];
	_ =	sdelay $0x3  }
0x36: {  	p1 =	seq.s32 s10, $0x1;
	s10 =	sld [smem:$0x3FB0];
	_ =	sdelay $0x3  }
0x37: {  	[smem:$0x3FB0] =	sst s10  }
0x38: {  	s10 =	sld [smem:$0x3FB1]  }
0x39: {  	_ = 	snop;
	(pc) =	sbr.ind lr, $3  }
0x3a: {  	_ = 	snop  }
0x3b: {  	_ = 	snop  }
0x3c: {  	p2 =	seq.s32 s10, $0x1;
	s10 =	sld [smem:$0x3FB0]  }
0x3d: {  	_ =	shalt  }
0x3e: {  	_ =	shalt  }
0x3f: {  	_ =	shalt  }
0x40: {  	_ =	shalt  }
0x41: {  	_ =	shalt  }
0x42: {  	_ =	shalt  }
0x43: {  	_ =	shalt  }
0x44: {  	_ =	shalt  }
0x45: {  	_ =	shalt  }
0x46: {  	_ =	shalt  }
0x47: {  	_ =	shalt  }
0x48: {  	_ =	shalt  }
0x49: {  	_ =	shalt  }
0x4a: {  	_ =	shalt  }
0x4b: {  	_ =	shalt  }
0x4c: {  	_ =	shalt  }
0x4d: {  	_ =	shalt  }
0x4e: {  	_ =	shalt  }
0x4f: {  	_ =	shalt  }
0x50: {  	_ =	shalt  }
0x51: {  	_ =	shalt  }
0x52: {  	_ =	shalt  }
0x53: {  	_ =	shalt  }
0x54: {  	_ =	shalt  }
0x55: {  	_ =	shalt  }
0x56: {  	_ =	shalt  }
0x57: {  	_ =	shalt  }
0x58: {  	_ =	shalt  }
0x59: {  	_ =	shalt  }
0x5a: {  	_ =	shalt  }
0x5b: {  	_ =	shalt  }
0x5c: {  	_ =	shalt  }
0x5d: {  	_ =	shalt  }
0x5e: {  	_ =	shalt  }
0x5f: {  	_ =	shalt  }
0x60: {  	_ =	shalt  }
0x61: {  	_ =	shalt  }
0x62: {  	_ =	shalt  }
0x63: {  	_ =	shalt  }
0x64: {  	_ =	shalt  }
0x65: {  	_ =	shalt  }
0x66: {  	_ =	shalt  }
0x67: {  	_ =	shalt  }
0x68: {  	_ =	shalt  }
0x69: {  	_ =	shalt  }
0x6a: {  	_ =	shalt  }
0x6b: {  	_ =	shalt  }
0x6c: {  	_ =	shalt  }
0x6d: {  	_ =	shalt  }
0x6e: {  	_ =	shalt  }
0x6f: {  	_ =	shalt  }
0x70: {  	_ =	shalt  }
0x71: {  	_ =	shalt  }
0x72: {  	_ =	shalt  }
0x73: {  	_ =	shalt  }
0x74: {  	_ =	shalt  }
0x75: {  	_ =	shalt  }
0x76: {  	_ =	shalt  }
0x77: {  	_ =	shalt  }
0x78: {  	_ =	shalt  }
0x79: {  	_ =	shalt  }
0x7a: {  	_ =	shalt  }
0x7b: {  	_ =	shalt  }
0x7c: {  	_ =	shalt  }
0x7d: {  	_ =	shalt  }
0x7e: {  	_ =	shalt  }
0x7f: {  	_ =	shalt  }
0x80: {  	_ =	shalt  }
0x81: {  	_ =	shalt  }
0x82: {  	_ =	shalt  }
0x83: {  	_ =	shalt  }
0x84: {  	_ =	shalt  }
0x85: {  	_ =	shalt  }
0x86: {  	_ =	shalt  }
0x87: {  	_ =	shalt  }
.Lfunc_end0:
.L_simem_size_0:
called_computation.2_lowered:
.L_overlay_start_0:
0x88: {  	s2 =	sld [smem:$0x3FD9]  }
0x89: {  	s3 =	sld [smem:$0x3FFE];
	_ =	sdelay $0x1  }
0x8a: {  	s1 =	srdreg.scid  }
0x8b: {  	s0 =	sand.u32 $0x1, s1  }
0x8c: {  	s16 =	sshll.u32 s0, $0xA;
	s2 =	sadd.s32 s3, s2  }
0x8d: {  	s2 =	sadd.s32 s2, s16  }
0x8e: {  	[smem:$0x3FBC] =	sst s2  }
0x8f: {  	_ = 	snop  }
0x90: {  	(tm) =	ssettm $0x1  }
0x91: {  	s17 =	sld [smem:$0x3FFB];
	_ =	sdelay $0x3  }
0x92: {  	_ =	strace s17  }
0x93: {  	s2 =	sld [smem:$0x3FFC];
	_ =	sdelay $0x3  }
0x94: {  	_ =	strace s2  }
0x95: {  	s2 =	sld [smem:$0x3FFD];
	_ =	sdelay $0x3  }
0x96: {  	_ =	strace s2  }
0x97: {  	_ =	strace $0x8FFFFFFF  }
0x98: {  	s18 =	sld [smem:$0x3FDB];
	_ =	sdelay $0x1  }
0x99: {  	s19 =	simm.s32 $_scs_section_size  }
0x9a: {  	s4 =	simm.s32 $_size__tile_overlayer_lowered;
	s5 =	simm.s32 $_tile_overlayer_lowered  }
0x9b: {  	s22 =	simm.s32 $0x1BFF;
	s21 =	sshll.u32 s5, $0x1;
	s2 =	sadd.s32 s19, s18  }
0x9c: {  	s6 =	simm.s32 $0x0;
	s20 =	sshll.u32 s4, $0x1;
	s4 =	sadd.s32 s21, s2  }
0x9d: {  	[timem:s6], [sflag:s22] =	dma.local [hbm:s4], s20  }
0x9e: {  	_ =	swait.ge [sflag:s22], s20  }
0x9f: {  	s3 =	ssub.s32 $0x0, s20;
	[sflag:s22] =	ssyncset.done $0x0  }
0xa0: {  	[sflag:s22] =	ssyncadd.s32 s3;
	_ =	sdelay $0x1  }
0xa1: {  	s23 =	simm.s32 $0x1B8B  }
0xa2: {  	_ =	swait.ge [sflag:s23], $0x1  }
0xa3: {  	[sflag:s23] =	ssyncset.done $0x0  }
0xa4: {  	s25 =	simm.s32 $0x1B8E;
	s24 =	sld [smem:$0x3FFE];
	[sflag:s23] =	ssyncadd.s32 $0xFFFFFFFF  }
0xa5: {  	s26 =	simm.s32 $execute0_lowered;
	[smem:$0x3FD2] =	sst s25  }
0xa6: {  	s4 =	sshll.u32 s26, $0x1;
	_ =	strace $0x8000004C;
	[dreg:$0x1] =	wrdreg $0xFFFFFFFF  }
0xa7: {  	s28 =	simm.s32 $_size_execute0_lowered;
	s2 =	sadd.s32 s2, s4;
	[dreg:$0x0] =	wrdreg $0x0  }
0xa8: {  	s4 =	sshll.u32 s28, $0x1;
	[dreg:$0x2] =	wrdreg s2  }
0xa9: {  	[dreg:$0x3] =	wrdreg s4  }
0xaa: {  	[dreg:$0x4] =	wrdreg $0xC0  }
0xab: {  	_ =	task [dreg:s6], $0x5FFFF  }
0xac: {  	[dreg:$0x1] =	wrdreg $0xFFFFFFFF  }
0xad: {  	[dreg:$0x0] =	wrdreg $0x60  }
0xae: {  	[dreg:$0x2] =	wrdreg s24  }
0xaf: {  	[dreg:$0x3] =	wrdreg $0xA9000  }
0xb0: {  	[dreg:$0x4] =	wrdreg $0x9  }
0xb1: {  	_ =	task.clear_ibuf [dreg:s6], $0x5FFFF;
	_ =	strace $0x9000004C  }
0xb2: {  	s29 =	simm.s32 $0x9;
	_ =	strace $0x8000004E  }
0xb3: {  	_ =	swait.ge [sflag:s29], $0x1  }
0xb4: {  	[sflag:s29] =	ssyncadd.s32 $0xFFFFFFFF  }
0xb5: {  	_ =	strace $0x9000004E  }
0xb6: {  	_ =	sfence  }
0xb7: {  	s30 =	sld [smem:$0x0];
	_ =	sdelay $0x2  }
0xb8: {  	s31 =	sshll.u32 s1, $0xD;
	s1 =	sshrl.u32 s1, $0x2  }
0xb9: {  	s3 =	sand.u32 $0x4000, s31;
	s1 =	sadd.s32 s1, s30  }
0xba: {  	s0 =	sor.u32 s3, s0;
	s1 =	sshll.u32 s1, $0x11  }
0xbb: {  	s0 =	sor.u32 s1, s0  }
0xbc: {  	s0 =	sadd.s32 $0x8F2B, s0  }
0xbd: {  	[sflag:s0] =	ssyncadd.remote.s32 $0x1  }
0xbe: {  	_ =	sfence.sel $0xFFFF  }
0xbf: {  	[dreg:$0x0] =	wrdreg $0xFFFFFFFF;
	(pc) =	sbr.abs _section_cstart, $3  }
0xc0: {  	[dreg:$0x1] =	wrdreg $0xFFFFFFFF  }
0xc1: {  	_ =	task.clear_ibuf [dreg:s6], $0x2FFFF;
	_ =	strace $0x9FFFFFFF  }
0xc2: {  	(tm) =	ssettm $0x7FFFFFFF  }
0xc3: {  	_ =	shalt  }
tec
execute0_lowered:
.L_overlay_start_1:
0x0: {  	(tag) =	ssettag $0x1  }
0x1: {  	s1 =	rddreg [dreg:$0x0]  }
0x2: {  	s3 =	srdreg.scid;
	s0 =	stileid.u32  }
0x3: {  	s2 =	rddreg [dreg:$0x1];
	s17 =	simm.s32 $0x2800;
	s18 =	simm.s32 $0x2900  }
0x4: {  	s19 =	simm.s32 $0x5;
	s20 =	simm.s32 $0x2880;
	s7 =	smul.u32 $0x2800, s0  }
0x5: {  	s21 =	simm.s32 $0x80;
	s29 =	simm.s32 $0x0;
	s11 =	smul.u32 $0x50000, s0  }
0x6: {  	s5 =	sand.u32 $0x1, s3;
	s4 =	sshll.u32 s0, $0x1;
	s12 =	smul.u32 $0x5000, s0  }
0x7: {  	s3 =	simm.s32 $0x0;
	s14 =	sadd.s32 $0x2E00, s1;
	s22 =	smul.u32 $0x28000, s5  }
0x8: {  	s4 =	sor.u32 s5, s4;
	[smem:$0x7FF] =	sst s3;
	s26 =	smul.u32 $0x2800, s5  }
0x9: {  	s23 =	ssub.s32 $0x2, s5;
	s6 =	smul.u32 $0x2800, s4;
	_ =	strace $0x8000004D  }
0xa: {  	s4 =	sadd.s32 $0x16E00, s1;
	s24 =	sshrl.u32 s23, $0x1;
	s25 =	sshrl.u32 s11, $0x2  }
0xb: {  	s10 =	sadd.s32 s7, s1;
	s13 =	ssub.s32 s23, s24;
	s15 =	sadd.s32 s25, s2  }
0xc: {  	s28 =	sadd.s32 $0x160E00, s10;
	s12 =	sadd.s32 s26, s12;
	s23 =	simm.s32 $0x3  }
0xd: {  	s24 =	simm.s32 $0x1;
	s25 =	simm.s32 $0x4;
	s26 =	simm.s32 $0x2  }
0xe: {  	s9 =	sshrl.u32 s6, $0x3;
	s6 =	sadd.s32 s7, s22;
	[dreg:$0x3] =	wrdreg s28  }
0xf: {  	s30 =	sor.u32 $0x80, s12;
	s11 =	smax.u32 s13, $0x1;
	s16 =	sor.u32 $0x100, s12  }
0x10: {  	s15 =	sshrl.u32 s15, $0x3;
	s22 =	simm.s32 $0x6900;
	s8 =	sadd.s32 s9, s1  }
0x11: {  	s1 =	sadd.s32 s6, s1;
	s6 =	sshll.u32 s0, $0x6;
	s9 =	sadd.s32 s14, s9  }
0x12: {  	s31 =	sshrl.u32 s16, $0x3;
	s16 =	simm.s32 $0x6;
	s7 =	sor.u32 $0x1C05, s6  }
0x13: {  	s8 =	sadd.s32 $0x156E00, s8;
	s10 =	sadd.s32 $0x188E00, s1;
	s1 =	sshrl.u32 s30, $0x3  }
0x14: {  	s12 =	sadd.s32 $0x4F0, s9;
	s13 =	sadd.s32 s1, s14;
	s14 =	sadd.s32 s31, s14  }
.LBB2_1:
0x15: {  	s0 =	rddreg [dreg:$0x3]  }
0x16: {  	[spmem:s15], [sflag:s7] =	dma.local [hbm:s0], $0x2800  }
0x17: {  	[tilespmem:s3], [sflag:$0x6] =	stream.linear.gather [hbm4b:s8+s3], $0x2800, $0x38;
	[tilespmem:$0x1E900] =	vst v63  }
0x18: {  	_ =	swait.ge [sflag:s16], $0x2800  }
0x19: {  	[sflag:s16] =	ssyncset.done $0x0  }
0x1a: {  	[sflag:s16] =	ssyncadd.s32 $0xFFFFD800  }
0x1b: {  	[tilespmem:s17], [sflag:$0x3] =	stream.linear.gather [hbm4b:s9+s3], $0x80, $0x38;
	[tilespmem:$0x1E900] =	vst v63  }
0x1c: {  	_ = 	snop  }
0x1d: {  	[tilespmem:s18], [sflag:$0x1] =	stream.indirect.gather [hbm4b:s4+s21], $0x80, s3, s21, $0xb8;
	[tilespmem:$0x1E900] =	vst v63  }
0x1e: {  	_ =	swait.ge [sflag:s19], $0x2800  }
0x1f: {  	[sflag:s19] =	ssyncset.done $0x0  }
0x20: {  	[sflag:s19] =	ssyncadd.s32 $0xFFFFD800  }
0x21: {  	s1 =	sadd.s32 $0x0, s13;
	[bflag:$0x0] =	sbarrier.arrive $0xFFFF  }
0x22: {  	[tilespmem:s20], [sflag:$0x4] =	stream.linear.gather [hbm4b:s1+s3], $0x80, $0x38;
	[tilespmem:$0x1E900] =	vst v63  }
0x23: {  	_ = 	snop  }
0x24: {  	[tilespmem:s22], [sflag:$0x2] =	stream.indirect.gather [hbm4b:s4+s21], $0x80, s21, s21, $0xb8;
	[tilespmem:$0x1E900] =	vst v63  }
0x25: {  	_ =	swait.ge [sflag:s23], $0x80  }
0x26: {  	[sflag:s23] =	ssyncset.done $0x0  }
0x27: {  	[sflag:s23] =	ssyncadd.s32 $0xFFFFFF80  }
0x28: {  	_ =	swait.ge [sflag:s24], $0x4000  }
0x29: {  	[sflag:s24] =	ssyncset.done $0x0  }
0x2a: {  	[sflag:s24] =	ssyncadd.s32 $0xFFFFC000  }
0x2b: {  	[spmem:s2] =	stream.indirect.scatter.add.f32 [tilespmem:s18], [sflag:$0x6], $0x80, s17, s21, $0xb8;
	[tilespmem:$0x1E900] =	vst v63  }
0x2c: {  	_ =	swait.ge [sflag:s16], $0x4000  }
0x2d: {  	[sflag:s16] =	ssyncset.done $0x0  }
0x2e: {  	s5 =	sadd.s32 $0x0, s14;
	[sflag:s16] =	ssyncadd.s32 $0xFFFFC000  }
0x2f: {  	[tilespmem:s17], [sflag:$0x3] =	stream.linear.gather [hbm4b:s5+s3], $0x80, $0x38;
	[tilespmem:$0x1E900] =	vst v63  }
0x30: {  	s28 =	simm.s32 $0x100  }
0x31: {  	[tilespmem:s18], [sflag:$0x1] =	stream.indirect.gather [hbm4b:s4+s21], $0x80, s28, s21, $0xb8;
	[tilespmem:$0x1E900] =	vst v63  }
0x32: {  	_ =	swait.ge [sflag:s25], $0x80  }
0x33: {  	[sflag:s25] =	ssyncset.done $0x0  }
0x34: {  	[sflag:s25] =	ssyncadd.s32 $0xFFFFFF80  }
0x35: {  	_ =	swait.ge [sflag:s26], $0x4000  }
0x36: {  	[sflag:s26] =	ssyncset.done $0x0  }
0x37: {  	[sflag:s26] =	ssyncadd.s32 $0xFFFFC000  }
0x38: {  	[spmem:s2] =	stream.indirect.scatter.add.f32 [tilespmem:s22], [sflag:$0x6], $0x80, s20, s21, $0xb8;
	[tilespmem:$0x1E900] =	vst v63  }
0x39: {  	s30 =	simm.s32 $0x20;
	_ =	swait.ge [sflag:s16], $0x4000  }
0x3a: {  	s31 =	simm.s32 $0x180;
	s1 =	simm.s32 $0x40;
	[sflag:s16] =	ssyncset.done $0x0  }
.LBB2_2:
0x3b: {  	s0 =	sadd.s32 s30, s13  }
0x3c: {  	[sflag:s16] =	ssyncadd.s32 $0xFFFFC000;
	s28 =	smov.u32 s1;
	s5 =	sadd.s32 $0x20, s1  }
0x3d: {  	[tilespmem:s20], [sflag:$0x4] =	stream.linear.gather [hbm4b:s0+s3], $0x80, $0x38;
	[tilespmem:$0x1E900] =	vst v63  }
0x3e: {  	p0 =	sne.s32 s1, $0x4C0  }
0x3f: {  	[tilespmem:s22], [sflag:$0x2] =	stream.indirect.gather [hbm4b:s4+s21], $0x80, s31, s21, $0xb8;
	[tilespmem:$0x1E900] =	vst v63  }
0x40: {  	_ =	swait.ge [sflag:s23], $0x80  }
0x41: {  	[sflag:s23] =	ssyncset.done $0x0  }
0x42: {  	[sflag:s23] =	ssyncadd.s32 $0xFFFFFF80  }
0x43: {  	_ =	swait.ge [sflag:s24], $0x4000  }
0x44: {  	[sflag:s24] =	ssyncset.done $0x0  }
0x45: {  	[sflag:s24] =	ssyncadd.s32 $0xFFFFC000  }
0x46: {  	[spmem:s2] =	stream.indirect.scatter.add.f32 [tilespmem:s18], [sflag:$0x6], $0x80, s17, s21, $0xb8;
	[tilespmem:$0x1E900] =	vst v63  }
0x47: {  	_ =	swait.ge [sflag:s16], $0x4000  }
0x48: {  	[sflag:s16] =	ssyncset.done $0x0  }
0x49: {  	s0 =	sadd.s32 s30, s14;
	s30 =	smov.u32 s28;
	[sflag:s16] =	ssyncadd.s32 $0xFFFFC000  }
0x4a: {  	[tilespmem:s17], [sflag:$0x3] =	stream.linear.gather [hbm4b:s0+s3], $0x80, $0x38;
	[tilespmem:$0x1E900] =	vst v63  }
0x4b: {  	s0 =	sadd.s32 $0x80, s31  }
0x4c: {  	[tilespmem:s18], [sflag:$0x1] =	stream.indirect.gather [hbm4b:s4+s21], $0x80, s0, s21, $0xb8;
	[tilespmem:$0x1E900] =	vst v63  }
0x4d: {  	_ =	swait.ge [sflag:s25], $0x80  }
0x4e: {  	[sflag:s25] =	ssyncset.done $0x0  }
0x4f: {  	[sflag:s25] =	ssyncadd.s32 $0xFFFFFF80  }
0x50: {  	_ =	swait.ge [sflag:s26], $0x4000  }
.Ltmp0:
0x51: {  	[sflag:s26] =	ssyncset.done $0x0;
	(pc) =	sbr.rel @p0 .LBB2_2-.Ltmp0, $4  }
0x52: {  	[sflag:s26] =	ssyncadd.s32 $0xFFFFC000  }
0x53: {  	[spmem:s2] =	stream.indirect.scatter.add.f32 [tilespmem:s22], [sflag:$0x6], $0x80, s20, s21, $0xb8;
	[tilespmem:$0x1E900] =	vst v63  }
0x54: {  	_ =	swait.ge [sflag:s16], $0x4000  }
0x55: {  	s1 =	smov.u32 s5;
	s31 =	sadd.s32 $0x100, s31;
	[sflag:s16] =	ssyncset.done $0x0  }
0x56: {  	s0 =	sadd.s32 s30, s13;
	[sflag:s16] =	ssyncadd.s32 $0xFFFFC000  }
0x57: {  	[tilespmem:s20], [sflag:$0x4] =	stream.linear.gather [hbm4b:s0+s3], $0x80, $0x38;
	[tilespmem:$0x1E900] =	vst v63  }
0x58: {  	_ = 	snop  }
0x59: {  	[tilespmem:s22], [sflag:$0x2] =	stream.indirect.gather [hbm4b:s4+s21], $0x80, s31, s21, $0xb8;
	[tilespmem:$0x1E900] =	vst v63  }
0x5a: {  	_ =	swait.ge [sflag:s23], $0x80  }
0x5b: {  	[sflag:s23] =	ssyncset.done $0x0  }
0x5c: {  	[sflag:s23] =	ssyncadd.s32 $0xFFFFFF80  }
0x5d: {  	_ =	swait.ge [sflag:s24], $0x4000  }
0x5e: {  	[sflag:s24] =	ssyncset.done $0x0  }
0x5f: {  	[sflag:s24] =	ssyncadd.s32 $0xFFFFC000  }
0x60: {  	[spmem:s2] =	stream.indirect.scatter.add.f32 [tilespmem:s18], [sflag:$0x6], $0x80, s17, s21, $0xb8;
	[tilespmem:$0x1E900] =	vst v63  }
0x61: {  	_ =	swait.ge [sflag:s16], $0x4000  }
0x62: {  	[sflag:s16] =	ssyncset.done $0x0  }
0x63: {  	s5 =	sadd.s32 s30, s14;
	[sflag:s16] =	ssyncadd.s32 $0xFFFFC000  }
0x64: {  	[tilespmem:s17], [sflag:$0x3] =	stream.linear.gather [hbm4b:s5+s3], $0x80, $0x38;
	[tilespmem:$0x1E900] =	vst v63  }
0x65: {  	s28 =	sadd.s32 $0x80, s31  }
0x66: {  	[tilespmem:s18], [sflag:$0x1] =	stream.indirect.gather [hbm4b:s4+s21], $0x80, s28, s21, $0xb8;
	[tilespmem:$0x1E900] =	vst v63  }
0x67: {  	_ =	swait.ge [sflag:s25], $0x80  }
0x68: {  	[sflag:s25] =	ssyncset.done $0x0  }
0x69: {  	[sflag:s25] =	ssyncadd.s32 $0xFFFFFF80  }
0x6a: {  	_ =	swait.ge [sflag:s26], $0x4000  }
0x6b: {  	[sflag:s26] =	ssyncset.done $0x0  }
0x6c: {  	[sflag:s26] =	ssyncadd.s32 $0xFFFFC000  }
0x6d: {  	[spmem:s2] =	stream.indirect.scatter.add.f32 [tilespmem:s22], [sflag:$0x6], $0x80, s20, s21, $0xb8;
	[tilespmem:$0x1E900] =	vst v63  }
0x6e: {  	_ =	swait.ge [sflag:s16], $0x4000  }
0x6f: {  	[sflag:s16] =	ssyncset.done $0x0  }
0x70: {  	[sflag:s16] =	ssyncadd.s32 $0xFFFFC000  }
0x71: {  	[tilespmem:s20], [sflag:$0x4] =	stream.linear.gather [hbm4b:s12+s3], $0x80, $0x38;
	[tilespmem:$0x1E900] =	vst v63  }
0x72: {  	s30 =	simm.s32 $0x2780  }
0x73: {  	[tilespmem:s22], [sflag:$0x2] =	stream.indirect.gather [hbm4b:s4+s21], $0x80, s30, s21, $0xb8;
	[tilespmem:$0x1E900] =	vst v63  }
0x74: {  	_ =	swait.ge [sflag:s23], $0x80  }
0x75: {  	[sflag:s23] =	ssyncset.done $0x0  }
0x76: {  	[sflag:s23] =	ssyncadd.s32 $0xFFFFFF80  }
0x77: {  	_ =	swait.ge [sflag:s24], $0x4000  }
0x78: {  	[sflag:s24] =	ssyncset.done $0x0  }
0x79: {  	[sflag:s24] =	ssyncadd.s32 $0xFFFFC000  }
0x7a: {  	[spmem:s2] =	stream.indirect.scatter.add.f32 [tilespmem:s18], [sflag:$0x6], $0x80, s17, s21, $0xb8;
	[tilespmem:$0x1E900] =	vst v63  }
0x7b: {  	_ =	swait.ge [sflag:s16], $0x4000  }
0x7c: {  	[sflag:s16] =	ssyncset.done $0x0  }
0x7d: {  	[sflag:s16] =	ssyncadd.s32 $0xFFFFC000  }
0x7e: {  	_ =	swait.ge [sflag:s25], $0x80  }
0x7f: {  	[sflag:s25] =	ssyncset.done $0x0  }
0x80: {  	[sflag:s25] =	ssyncadd.s32 $0xFFFFFF80  }
0x81: {  	_ =	swait.ge [sflag:s26], $0x4000  }
0x82: {  	[sflag:s26] =	ssyncset.done $0x0  }
0x83: {  	[sflag:s26] =	ssyncadd.s32 $0xFFFFC000  }
0x84: {  	[spmem:s2] =	stream.indirect.scatter.add.f32 [tilespmem:s22], [sflag:$0x6], $0x80, s20, s21, $0xb8;
	[tilespmem:$0x1E900] =	vst v63  }
0x85: {  	_ =	swait.ge [sflag:s16], $0x4000  }
0x86: {  	s29 =	sadd.s32 $0x1, s29;
	[sflag:s16] =	ssyncset.done $0x0  }
0x87: {  	p0 =	sne.s32 s29, s11;
	[sflag:s16] =	ssyncadd.s32 $0xFFFFC000  }
.Ltmp1:
0x88: {  	s31 =	sor.u32 $0x1C06, s6;
	[bflag:$0x0] =	sbarrier.arrive $0xFFFF;
	(pc) =	sbr.rel @p0 .LBB2_1-.Ltmp1, $4  }
0x89: {  	[hbm:s10], [sflag:s31] =	dma.local [spmem:s15], $0x2800  }
0x8a: {  	_ =	swait.ge [sflag:s16], $0x2800  }
0x8b: {  	[sflag:s16] =	ssyncset.done $0x0  }
0x8c: {  	[sflag:s16] =	ssyncadd.s32 $0xFFFFD800  }
0x8d: {  	_ =	sfence.sel $0x180000  }
0x8e: {  	[bflag:$0x0] =	sbarrier.arrive $0xFFFF  }
0x8f: {  	_ =	strace $0x9000004D  }
0x90: {  	s0 =	stileid.u32;
	[bflag:$0x2] =	sbarrier.arrive $0xFFFF  }
0x91: {  	p0 =	sne.s32 s0, $0x0;
	s0 =	rddreg [dreg:$0x2]  }
0x92: {  	s0 =	sadd.s32 @!p0 $0x100000, s0  }
0x93: {  	[sflag:s0] =	ssyncadd.tile.s32 @!p0 $0x1;
	_ =	shalt  }
.Lfunc_end2:
_tile_overlayer_lowered:
.L_overlay_start_2:
0x94: {  	(tag) =	ssettag $0x2  }
0x95: {  	s0 =	rddreg [dreg:$0x0];
	s2 =	stileid.u32  }
0x96: {  	s1 =	rddreg [dreg:$0x1];
	p0 =	sne.s32 s2, $0x0  }
0x97: {  	s3 =	rddreg [dreg:$0x2];
	[bflag:$0x3] =	sbarrier.arrive $0xFFFF;
	s2 =	simm.s32 @!p0 $0x1C06  }
0x98: {  	[timem:s3], [sflag:s2] =	dma.local @!p0 [hbm:s0], s1  }
0x99: {  	s0 =	simm.s32 @!p0 $0x6  }
0x9a: {  	_ =	swait.ge @!p0 [sflag:s0], s1  }
0x9b: {  	s1 =	ssub.s32 @!p0 $0x0, s1;
	[sflag:s0] =	ssyncset.done @!p0 $0x0  }
0x9c: {  	[sflag:s0] =	ssyncadd.s32 @!p0 s1  }
0x9d: {  	[bflag:$0x3] =	sbarrier.arrive $0xFFFF  }
0x9e: {  	_ =	shalt  }

// kernel: kernel.8.cloned.1.call-start
scs
__scs_entry_jumppad:
0x0: {  	(pc) =	sbr.rel $0x88, $3  }
0x1: {  	(tag) =	ssettag $0x0;
	lr =	simm.s32 $0x1  }
0x2: {  	[smem:$0x3F95] =	sst lr;
	_ =	strace $0xD0000000  }
0x3: {  	_ = 	snop  }
0x4: {  	_ = 	snop  }
0x5: {  	_ = 	snop  }
0x6: {  	_ = 	snop  }
0x7: {  	_ = 	snop  }
__scs_overlays_trampoline_lowered:
0x8: {  	[smem:$0x3FA4] =	sst s0  }
0x9: {  	[smem:$0x3FA5] =	sst s1  }
0xa: {  	[smem:$0x3FA6] =	sst s2  }
0xb: {  	[smem:$0x3FA7] =	sst s3  }
0xc: {  	[smem:$0x3FA8] =	sst s4  }
0xd: {  	[smem:$0x3FA9] =	sst s5  }
0xe: {  	[smem:$0x3FAA] =	sst s6  }
0xf: {  	[smem:$0x3FAB] =	sst s7  }
0x10: {  	[smem:$0x3FAC] =	sst s8  }
0x11: {  	[smem:$0x3FAD] =	sst s9;
	s0 =	simm.s32 @!p0 $0x0  }
0x12: {  	s1 =	sld [smem:$0x3F93];
	s0 =	simm.s32 @p0 $0x1  }
0x13: {  	[smem:$0x3FAE] =	sst s0;
	s0 =	simm.s32 @!p1 $0x0  }
0x14: {  	s2 =	sld [smem:$0x3F92];
	s0 =	simm.s32 @p1 $0x1  }
0x15: {  	[smem:$0x3FAF] =	sst s0;
	s0 =	simm.s32 @!p2 $0x0  }
0x16: {  	s3 =	sld [smem:$0x3FDB];
	s0 =	simm.s32 @p2 $0x1  }
0x17: {  	s4 =	simm.s32 $0x1BF5;
	[smem:$0x3FB1] =	sst s0  }
0x18: {  	s0 =	sld [smem:$0x3F94];
	_ =	swait.ge [sflag:s4], $0x0  }
0x19: {  	s7 =	sld [smem:$0x3F95]  }
0x1a: {  	s8 =	sadd.s32 $0xFFFFE003, lr  }
0x1b: {  	s9 =	sadd.s32 $0xFFFFFEF7, lr;
	s5 =	simm.s32 $0xFFFFFFFF;
	p2 =	slt.u32 s8, $0xFFFFF086  }
0x1c: {  	p1 =	slt.u32 s9, $0xF7A;
	s5 =	simm.s32 @!p2 $0x0  }
0x1d: {  	s5 =	simm.s32 @p1 $0x1;
	p0 =	seq.s32 s7, s2  }
0x1e: {  	s7 =	smul.u32 @!p0 $0xF7A, s2;
	p2 =	seq.s32 @!p0 s5, $0x0  }
0x1f: {  	s9 =	smul.u32 $0xF7A, s1;
	s8 =	simm.s32 @!p0 $0x1BF5;
	p2 =	por !p2, p0  }
0x20: {  	[sflag:s8] =	ssyncset.s32 @!p0 $0xFFFFF086;
	s6 =	sadd.s32 @!p0 s3, s7;
	s7 =	simm.s32 @!p0 $0x108  }
0x21: {  	s3 =	sadd.s32 s3, s9;
	s6 =	sadd.s32 @!p0 $0x88, s6;
	s7 =	simm.s32 @p2 $0x1082  }
0x22: {  	[simem:s7], [sflag:s8] =	dma.local @!p0 [hbm:s6], $0xF7A  }
0x23: {  	s9 =	sor.u32 $0xD0000000, s2;
	s6 =	simm.s32 $0x108;
	_ =	swait.ge @!p0 [sflag:s8], $0x0  }
0x24: {  	s3 =	sadd.s32 $0x88, s3;
	s6 =	simm.s32 @!p1 $0x1082;
	[sflag:s4] =	ssyncset.s32 $0xFFFFF086  }
0x25: {  	[simem:s6], [sflag:s4] =	dma.local [hbm:s3], $0xF7A  }
0x26: {  	[smem:$0x3F95] =	sst s1;
	(tag) =	ssettag s2;
	_ =	strace s9  }
0x27: {  	s1 =	sld [smem:$0x3FA5]  }
0x28: {  	s2 =	sld [smem:$0x3FA6]  }
0x29: {  	s4 =	sld [smem:$0x3FA8]  }
0x2a: {  	p0 =	seq.s32 s5, $0x0;
	s5 =	sld [smem:$0x3FA9]  }
0x2b: {  	s6 =	sld [smem:$0x3FAA]  }
0x2c: {  	s7 =	sld [smem:$0x3FAB]  }
0x2d: {  	s3 =	simm.s32 $0x108;
	s8 =	sld [smem:$0x3FAC]  }
0x2e: {  	s3 =	simm.s32 @!p0 $0x1082;
	s9 =	sld [smem:$0x3FAD]  }
0x2f: {  	lr =	sadd.s32 s0, s3;
	s0 =	sld [smem:$0x3FA4]  }
0x30: {  	s3 =	sld [smem:$0x3FA7]  }
0x31: {  	[smem:$0x3FB0] =	sst s10  }
0x32: {  	s10 =	sld [smem:$0x3FAE];
	_ =	sdelay $0x3  }
0x33: {  	p0 =	seq.s32 s10, $0x1;
	s10 =	sld [smem:$0x3FB0];
	_ =	sdelay $0x3  }
0x34: {  	[smem:$0x3FB0] =	sst s10  }
0x35: {  	s10 =	sld [smem:$0x3FAF];
	_ =	sdelay $0x3  }
0x36: {  	p1 =	seq.s32 s10, $0x1;
	s10 =	sld [smem:$0x3FB0];
	_ =	sdelay $0x3  }
0x37: {  	[smem:$0x3FB0] =	sst s10  }
0x38: {  	s10 =	sld [smem:$0x3FB1]  }
0x39: {  	_ = 	snop;
	(pc) =	sbr.ind lr, $3  }
0x3a: {  	_ = 	snop  }
0x3b: {  	_ = 	snop  }
0x3c: {  	p2 =	seq.s32 s10, $0x1;
	s10 =	sld [smem:$0x3FB0]  }
0x3d: {  	_ =	shalt  }
0x3e: {  	_ =	shalt  }
0x3f: {  	_ =	shalt  }
0x40: {  	_ =	shalt  }
0x41: {  	_ =	shalt  }
0x42: {  	_ =	shalt  }
0x43: {  	_ =	shalt  }
0x44: {  	_ =	shalt  }
0x45: {  	_ =	shalt  }
0x46: {  	_ =	shalt  }
0x47: {  	_ =	shalt  }
0x48: {  	_ =	shalt  }
0x49: {  	_ =	shalt  }
0x4a: {  	_ =	shalt  }
0x4b: {  	_ =	shalt  }
0x4c: {  	_ =	shalt  }
0x4d: {  	_ =	shalt  }
0x4e: {  	_ =	shalt  }
0x4f: {  	_ =	shalt  }
0x50: {  	_ =	shalt  }
0x51: {  	_ =	shalt  }
0x52: {  	_ =	shalt  }
0x53: {  	_ =	shalt  }
0x54: {  	_ =	shalt  }
0x55: {  	_ =	shalt  }
0x56: {  	_ =	shalt  }
0x57: {  	_ =	shalt  }
0x58: {  	_ =	shalt  }
0x59: {  	_ =	shalt  }
0x5a: {  	_ =	shalt  }
0x5b: {  	_ =	shalt  }
0x5c: {  	_ =	shalt  }
0x5d: {  	_ =	shalt  }
0x5e: {  	_ =	shalt  }
0x5f: {  	_ =	shalt  }
0x60: {  	_ =	shalt  }
0x61: {  	_ =	shalt  }
0x62: {  	_ =	shalt  }
0x63: {  	_ =	shalt  }
0x64: {  	_ =	shalt  }
0x65: {  	_ =	shalt  }
0x66: {  	_ =	shalt  }
0x67: {  	_ =	shalt  }
0x68: {  	_ =	shalt  }
0x69: {  	_ =	shalt  }
0x6a: {  	_ =	shalt  }
0x6b: {  	_ =	shalt  }
0x6c: {  	_ =	shalt  }
0x6d: {  	_ =	shalt  }
0x6e: {  	_ =	shalt  }
0x6f: {  	_ =	shalt  }
0x70: {  	_ =	shalt  }
0x71: {  	_ =	shalt  }
0x72: {  	_ =	shalt  }
0x73: {  	_ =	shalt  }
0x74: {  	_ =	shalt  }
0x75: {  	_ =	shalt  }
0x76: {  	_ =	shalt  }
0x77: {  	_ =	shalt  }
0x78: {  	_ =	shalt  }
0x79: {  	_ =	shalt  }
0x7a: {  	_ =	shalt  }
0x7b: {  	_ =	shalt  }
0x7c: {  	_ =	shalt  }
0x7d: {  	_ =	shalt  }
0x7e: {  	_ =	shalt  }
0x7f: {  	_ =	shalt  }
0x80: {  	_ =	shalt  }
0x81: {  	_ =	shalt  }
0x82: {  	_ =	shalt  }
0x83: {  	_ =	shalt  }
0x84: {  	_ =	shalt  }
0x85: {  	_ =	shalt  }
0x86: {  	_ =	shalt  }
0x87: {  	_ =	shalt  }
.Lfunc_end0:
.L_simem_size_0:
called_computation_lowered:
.L_overlay_start_0:
0x88: {  	s2 =	sld [smem:$0x3FD9]  }
0x89: {  	s3 =	sld [smem:$0x3FFE];
	_ =	sdelay $0x1  }
0x8a: {  	s1 =	srdreg.scid  }
0x8b: {  	s0 =	sand.u32 $0x1, s1  }
0x8c: {  	s16 =	sshll.u32 s0, $0xA;
	s2 =	sadd.s32 s3, s2  }
0x8d: {  	s2 =	sadd.s32 s2, s16  }
0x8e: {  	[smem:$0x3FBC] =	sst s2  }
0x8f: {  	_ = 	snop  }
0x90: {  	(tm) =	ssettm $0x1  }
0x91: {  	s17 =	sld [smem:$0x3FFB];
	_ =	sdelay $0x3  }
0x92: {  	_ =	strace s17  }
0x93: {  	s2 =	sld [smem:$0x3FFC];
	_ =	sdelay $0x3  }
0x94: {  	_ =	strace s2  }
0x95: {  	s2 =	sld [smem:$0x3FFD];
	_ =	sdelay $0x3  }
0x96: {  	_ =	strace s2  }
0x97: {  	_ =	strace $0x8FFFFFFF  }
0x98: {  	s18 =	sld [smem:$0x3FDB];
	_ =	sdelay $0x1  }
0x99: {  	s19 =	simm.s32 $_scs_section_size  }
0x9a: {  	s4 =	simm.s32 $_size__tile_overlayer_lowered;
	s5 =	simm.s32 $_tile_overlayer_lowered  }
0x9b: {  	s22 =	simm.s32 $0x1BFF;
	s21 =	sshll.u32 s5, $0x1;
	s2 =	sadd.s32 s19, s18  }
0x9c: {  	s6 =	simm.s32 $0x0;
	s20 =	sshll.u32 s4, $0x1;
	s4 =	sadd.s32 s21, s2  }
0x9d: {  	[timem:s6], [sflag:s22] =	dma.local [hbm:s4], s20  }
0x9e: {  	_ =	swait.ge [sflag:s22], s20  }
0x9f: {  	s3 =	ssub.s32 $0x0, s20;
	[sflag:s22] =	ssyncset.done $0x0  }
0xa0: {  	[sflag:s22] =	ssyncadd.s32 s3;
	_ =	sdelay $0x1  }
0xa1: {  	s23 =	simm.s32 $0x1B8B  }
0xa2: {  	_ =	swait.ge [sflag:s23], $0x1  }
0xa3: {  	[sflag:s23] =	ssyncset.done $0x0  }
0xa4: {  	s25 =	simm.s32 $0x1B8E;
	s24 =	sld [smem:$0x3FFE];
	[sflag:s23] =	ssyncadd.s32 $0xFFFFFFFF  }
0xa5: {  	s26 =	simm.s32 $execute0_lowered;
	[smem:$0x3FD2] =	sst s25  }
0xa6: {  	s4 =	sshll.u32 s26, $0x1;
	_ =	strace $0x80000046;
	[dreg:$0x1] =	wrdreg $0xFFFFFFFF  }
0xa7: {  	s28 =	simm.s32 $_size_execute0_lowered;
	s2 =	sadd.s32 s2, s4;
	[dreg:$0x0] =	wrdreg $0x0  }
0xa8: {  	s4 =	sshll.u32 s28, $0x1;
	[dreg:$0x2] =	wrdreg s2  }
0xa9: {  	[dreg:$0x3] =	wrdreg s4  }
0xaa: {  	[dreg:$0x4] =	wrdreg $0xC0  }
0xab: {  	_ =	task [dreg:s6], $0x5FFFF  }
0xac: {  	[dreg:$0x1] =	wrdreg $0xFFFFFFFF  }
0xad: {  	[dreg:$0x0] =	wrdreg $0x60  }
0xae: {  	[dreg:$0x2] =	wrdreg s24  }
0xaf: {  	[dreg:$0x3] =	wrdreg $0x9  }
0xb0: {  	_ =	task.clear_ibuf [dreg:s6], $0x4FFFF;
	_ =	strace $0x90000046  }
0xb1: {  	s29 =	simm.s32 $0x9;
	_ =	strace $0x80000048  }
0xb2: {  	_ =	swait.ge [sflag:s29], $0x1  }
0xb3: {  	[sflag:s29] =	ssyncadd.s32 $0xFFFFFFFF  }
0xb4: {  	_ =	strace $0x90000048  }
0xb5: {  	_ =	sfence  }
0xb6: {  	s30 =	sld [smem:$0x0];
	_ =	sdelay $0x2  }
0xb7: {  	s31 =	sshll.u32 s1, $0xD;
	s1 =	sshrl.u32 s1, $0x2  }
0xb8: {  	s3 =	sand.u32 $0x4000, s31;
	s1 =	sadd.s32 s1, s30  }
0xb9: {  	s0 =	sor.u32 s3, s0;
	s1 =	sshll.u32 s1, $0x11  }
0xba: {  	s0 =	sor.u32 s1, s0  }
0xbb: {  	s0 =	sadd.s32 $0x8F2B, s0  }
0xbc: {  	[sflag:s0] =	ssyncadd.remote.s32 $0x1  }
0xbd: {  	_ =	sfence.sel $0xFFFF  }
0xbe: {  	[dreg:$0x0] =	wrdreg $0xFFFFFFFF;
	(pc) =	sbr.abs _section_cstart, $3  }
0xbf: {  	[dreg:$0x1] =	wrdreg $0xFFFFFFFF  }
0xc0: {  	_ =	task.clear_ibuf [dreg:s6], $0x2FFFF;
	_ =	strace $0x9FFFFFFF  }
0xc1: {  	(tm) =	ssettm $0x7FFFFFFF  }
tec
execute0_lowered:
.L_overlay_start_1:
0x0: {  	(tag) =	ssettag $0x1  }
0x1: {  	s1 =	srdreg.scid  }
0x2: {  	s0 =	stileid.u32;
	s5 =	rddreg [dreg:$0x0]  }
0x3: {  	s2 =	simm.s32 $0x0;
	s8 =	simm.s32 $0x80;
	s9 =	simm.s32 $0x400  }
0x4: {  	s10 =	simm.s32 $0x0;
	s3 =	sand.u32 $0x1, s1;
	s29 =	sshll.u32 s0, $0x1  }
0x5: {  	s30 =	sshrl.u32 s0, $0x2;
	s1 =	rddreg [dreg:$0x1];
	s4 =	sor.u32 s3, s29  }
0x6: {  	[smem:$0x7FF] =	sst s2;
	s6 =	smul.u32 $0x14000, s30;
	s7 =	sshll.u32 s4, $0x7  }
0x7: {  	s3 =	ssub.s32 $0x2, s3;
	s4 =	smul.u32 $0x500, s4;
	s7 =	sand.u32 $0x380, s7  }
0x8: {  	_ =	strace $0x80000047;
	s31 =	sshrl.u32 s3, $0x1;
	s6 =	sor.u32 s6, s7  }
0x9: {  	s4 =	sadd.s32 s4, s5;
	s7 =	simm.s32 $0x2800;
	s6 =	sshrl.u32 s6, $0x3  }
0xa: {  	s5 =	sadd.s32 s6, s5;
	s6 =	ssub.s32 s3, s31;
	s3 =	sadd.s32 $0x2E00, s4  }
0xb: {  	v0 =	vimm.f32 $0.0e+00;
	v1 =	vimm.f32 $1.000000000e+00;
	s4 =	sadd.s32 $0xCE00, s5;
	s5 =	smax.u32 s6, $0x1;
	s6 =	simm.s32 $0x1  }
.LBB2_1:
0xc: {  	[tilespmem:s2], [sflag:$0x1] =	stream.linear.gather [hbm4b:s3+s2], $0x2800, $0x38;
	[tilespmem:$0x5000] =	vst v63  }
0xd: {  	_ =	swait.ge [sflag:s6], $0x2800  }
0xe: {  	[sflag:s6] =	ssyncset.done $0x0  }
0xf: {  	s11 =	simm.s32 $0x0;
	[sflag:s6] =	ssyncadd.s32 $0xFFFFD800  }
.LBB2_2:
0x10: {  	p0 =	sne.s32 s11, $0x9FC0  }
.Ltmp0:
0x11: {  	_ = 	snop;
	(pc) =	sbr.rel @p0 .LBB2_2-.Ltmp0, $3  }
0x12: {  	_ =	sdelay $0x1  }
0x13: {  	s12 =	sshra.s32 s11, $0x2  }
0x14: {  	s11 =	sadd.s32 $0x40, s11;
	[tilespmem:s12+$0x2800] =	vst v0  }
0x15: {  	s12 =	simm.s32 $0x0;
	s11 =	simm.s32 $0x40  }
.LBB2_4:
0x16: {  	p0 =	sne.s32 s11, $0x9FC0;
	v2 =	vld [tilespmem:s12+$0x0];
	_ =	sdelay $0x3  }
.Ltmp1:
0x17: {  	(pc) =	sbr.rel @p0 .LBB2_4-.Ltmp1, $2  }
0x18: {  	_ =	sdelay $0x2  }
0x19: {  	s12 =	sshra.s32 s11, $0x2;
	s11 =	sadd.s32 $0x40, s11;
	[tilespmem:v2+s7+$0x0] =	vst.idx.add.f32.msk $0xffff, v1  }
0x1a: {  	v2 =	vld [tilespmem:s12+$0x0];
	_ =	sdelay $0x5  }
0x1b: {  	s10 =	sadd.s32 $0x1, s10  }
0x1c: {  	p0 =	sne.s32 s10, s5  }
.Ltmp2:
0x1d: {  	[tilespmem:v2+s7+$0x0] =	vst.idx.add.f32.msk $0xffff, v1;
	(pc) =	sbr.rel @p0 .LBB2_1-.Ltmp2, $4  }
0x1e: {  	[hbm4b:s4+s8] =	stream.strided.scatter [tilespmem:s7], [sflag:$0x1], $0x2800, s9, s8, $0x38;
	[tilespmem:$0x5000] =	vst v63  }
0x1f: {  	_ =	swait.ge [sflag:s6], $0x2800  }
0x20: {  	[sflag:s6] =	ssyncset.done $0x0  }
0x21: {  	[sflag:s6] =	ssyncadd.s32 $0xFFFFD800  }
0x22: {  	_ =	sfence.sel $0x180000  }
0x23: {  	[bflag:$0x0] =	sbarrier.arrive $0xFFFF  }
0x24: {  	p0 =	sne.s32 s0, $0x0;
	_ =	strace $0x90000047  }
0x25: {  	s0 =	sadd.s32 @!p0 $0x100000, s1;
	[bflag:$0x2] =	sbarrier.arrive $0xFFFF  }
0x26: {  	[sflag:s0] =	ssyncadd.tile.s32 @!p0 $0x1;
	_ =	shalt  }
.Lfunc_end2:
_tile_overlayer_lowered:
.L_overlay_start_2:
0x27: {  	(tag) =	ssettag $0x2  }
0x28: {  	s0 =	rddreg [dreg:$0x0];
	s2 =	stileid.u32  }
0x29: {  	s1 =	rddreg [dreg:$0x1];
	p0 =	sne.s32 s2, $0x0  }
0x2a: {  	s3 =	rddreg [dreg:$0x2];
	[bflag:$0x3] =	sbarrier.arrive $0xFFFF;
	s2 =	simm.s32 @!p0 $0x1C01  }
0x2b: {  	[timem:s3], [sflag:s2] =	dma.local @!p0 [hbm:s0], s1  }
0x2c: {  	s0 =	simm.s32 @!p0 $0x1  }
0x2d: {  	_ =	swait.ge @!p0 [sflag:s0], s1  }
0x2e: {  	s1 =	ssub.s32 @!p0 $0x0, s1;
	[sflag:s0] =	ssyncset.done @!p0 $0x0  }
0x2f: {  	[sflag:s0] =	ssyncadd.s32 @!p0 s1  }
0x30: {  	[bflag:$0x3] =	sbarrier.arrive $0xFFFF  }
0x31: {  	_ =	shalt  }

</sc_bundles>
